<compile_context>
chip_gen: v7x
topology: tpu7x:2x2x1
jax: 0.10.2.dev20260603
libtpu: 0.0.44.dev20260713+nightly
codegen_flags: <defaults>
</compile_context>

<pallas_src>
import functools

import jax
import jax.numpy as jnp
from jax import lax
from jax.experimental import pallas as pl
from jax.experimental.pallas import tpu as pltpu
from jax.experimental.pallas import tpu_sc as plsc

NBUF = 4
LOOKAHEAD = 2


@functools.lru_cache(maxsize=None)
def _make_lookup(b0: int, b1: int, d_model: int):
    info = plsc.get_sparse_core_info()
    nc, ns = info.num_cores, info.num_subcores
    nw = nc * ns
    n = b0 // nw
    assert n % NBUF == 0
    splits = []
    off = 0
    while off < b1:
        size = min(128, b1 - off)
        splits.append((off, size))
        off += size
    splits = tuple(splits)
    mesh = plsc.VectorSubcoreMesh(core_axis_name="c", subcore_axis_name="s")

    @functools.partial(
        pl.kernel,
        out_type=jax.ShapeDtypeStruct((b0, b1, 128), jnp.float32),
        mesh=mesh,
        scratch_types=[
            pltpu.VMEM((n, b1), jnp.int32),
            pltpu.VMEM((NBUF, b1, 128), jnp.float32),
            [pltpu.SemaphoreType.DMA] * NBUF,
            [pltpu.SemaphoreType.DMA] * NBUF,
        ],
        compiler_params=pltpu.CompilerParams(use_tc_tiling_on_sc=False),
    )
    def lookup(idx_hbm, table_hbm, out_hbm, idx_v, rows_v, gsems, ssems):
        wid = lax.axis_index("s") * nc + lax.axis_index("c")
        base = wid * n
        pltpu.sync_copy(idx_hbm.at[pl.ds(base, n)], idx_v)

        def fire_gather(c, b):
            for off, size in splits:
                pltpu.async_copy(
                    table_hbm.at[idx_v.at[c].at[pl.ds(off, size)]],
                    rows_v.at[b].at[pl.ds(off, size)],
                    gsems[b],
                )

        def wait_gather(c, b):
            for off, size in splits:
                pltpu.make_async_copy(
                    table_hbm.at[idx_v.at[c].at[pl.ds(off, size)]],
                    rows_v.at[b].at[pl.ds(off, size)],
                    gsems[b],
                ).wait()

        def fire_store(c, b):
            pltpu.async_copy(
                rows_v.at[b].at[:, pl.ds(0, d_model)],
                out_hbm.at[base + c, :, pl.ds(0, d_model)],
                ssems[b],
            )

        def wait_store(c, b):
            pltpu.make_async_copy(
                rows_v.at[b].at[:, pl.ds(0, d_model)],
                out_hbm.at[base + c, :, pl.ds(0, d_model)],
                ssems[b],
            ).wait()

        for b in range(NBUF):
            fire_gather(b, b)

        def group(t, carry):
            for b in range(NBUF):
                g = t * NBUF + b
                wait_gather(g, b)
                fire_store(g, b)
                h = g + LOOKAHEAD
                hb = (b + LOOKAHEAD) % NBUF

                @pl.when(jnp.logical_and(h >= NBUF, h < n))
                def _():
                    wait_store(h - NBUF, hb)
                    fire_gather(h, hb)

            return carry

        lax.fori_loop(0, n // NBUF, group, 0)

        for b in range(NBUF):
            c = n - NBUF + b
            wait_store(c, b)

    return lookup


def kernel(x, table):
    b0, b1 = x.shape
    idx = x.astype(jnp.int32)
    tpad = jnp.pad(table, ((0, 0), (0, 128 - table.shape[1])))
    out = _make_lookup(b0, b1, table.shape[1])(idx, tpad)
    return out[:, :, : table.shape[1]]

# --- scband reference (transcript-rebuilt; emitter-appended) ---
"""Pipeline reference for scband-token-embedding-17772574671379 (READ-ONLY COPY).

The authoritative reference and input builder live on the scoring server;
editing this copy changes nothing except your own understanding.
"""

import jax, jax.numpy as jnp
import numpy as np

VOCAB_SIZE = 1000000
D_MODEL = 64

def setup_inputs(seed: int = 0) -> dict:
    key = jax.random.key(seed)
    k1, k2 = jax.random.split(key)
    x = jax.random.randint(k1, (4096, 200), 0, VOCAB_SIZE, dtype=jnp.int64 if jax.config.jax_enable_x64 else jnp.int32)
    table = jax.random.normal(k2, (VOCAB_SIZE, D_MODEL), dtype=jnp.float32)
    return {"x": x, "table": table}

def reference(x, table):
    # nn.Embedding forward: plain row gather from the embedding table
    return jnp.take(table, x, axis=0)

if __name__ == "__main__":
    import jax
    _d = setup_inputs()
    print(jax.jit(kernel)(*tuple(_d.values())))

</pallas_src>

<mosaic_0001>
#map = affine_map<(d0, d1) -> (0, 0)>
#map1 = affine_map<(d0, d1) -> (0, 0, 0)>
module attributes {stable_mosaic.version = 14 : i64} {
  func.func @lookup(%arg0: i32, %arg1: i32, %arg2: memref<4096x200xi32, #tpu.memory_space<hbm>>, %arg3: memref<1000000x128xf32, #tpu.memory_space<hbm>>, %arg4: memref<4096x200x128xf32, #tpu.memory_space<hbm>>, %arg5: memref<128x200xi32, #tpu.memory_space<vmem>>, %arg6: memref<4x200x128xf32, #tpu.memory_space<vmem>>, %arg7: memref<!tpu.dma_semaphore, #tpu.memory_space<semaphore_mem>>, %arg8: memref<!tpu.dma_semaphore, #tpu.memory_space<semaphore_mem>>, %arg9: memref<!tpu.dma_semaphore, #tpu.memory_space<semaphore_mem>>, %arg10: memref<!tpu.dma_semaphore, #tpu.memory_space<semaphore_mem>>, %arg11: memref<!tpu.dma_semaphore, #tpu.memory_space<semaphore_mem>>, %arg12: memref<!tpu.dma_semaphore, #tpu.memory_space<semaphore_mem>>, %arg13: memref<!tpu.dma_semaphore, #tpu.memory_space<semaphore_mem>>, %arg14: memref<!tpu.dma_semaphore, #tpu.memory_space<semaphore_mem>>) attributes {dimension_semantics = [#tpu.dimension_semantics<core_parallel>, #tpu.dimension_semantics<subcore_parallel>], iteration_bounds = array<i64: 2, 16>, scalar_prefetch = 0 : i64, scratch_operands = 10 : i64, tpu.core_type = #tpu.core_type<sc_vector_subcore>, window_params = [{transform_indices = #map}, {transform_indices = #map}, {transform_indices = #map1}]} {
    %mul3A = arith.constant 2 : i32
    %mul3A_0 = arith.muli %arg1, %mul3A : i32
    %add3A = arith.addi %mul3A_0, %arg0 : i32
    %mul3A_1 = arith.constant 128 : i32
    %mul3A_2 = arith.muli %add3A, %mul3A_1 : i32
    "tpu.region"() ({
      %run_scoped3A = tpu.sem_alloc : memref<!tpu.dma_semaphore, #tpu.memory_space<semaphore_mem>>
      %dma_start3A_242 = arith.constant 0 : i32
      %dma_start3A_243 = tpu.memref_slice %arg2[%mul3A_2, %dma_start3A_242] : memref<4096x200xi32, #tpu.memory_space<hbm>> -> memref<128x200xi32, #tpu.memory_space<hbm>>
      %dma_start3A_244 = arith.constant 0 : i32
      %dma_start3A_245 = tpu.memref_slice %arg2[%mul3A_2, %dma_start3A_244] : memref<4096x200xi32, #tpu.memory_space<hbm>> -> memref<128x200xi32, #tpu.memory_space<hbm>>
      tpu.enqueue_dma source(%dma_start3A_245 : memref<128x200xi32, #tpu.memory_space<hbm>>) target(%arg5 : memref<128x200xi32, #tpu.memory_space<vmem>>) target_semaphore(%run_scoped3A : memref<!tpu.dma_semaphore, #tpu.memory_space<semaphore_mem>>)
      %dma_wait3A_246 = arith.constant 0 : i32
      %dma_wait3A_247 = tpu.memref_slice %arg2[%mul3A_2, %dma_wait3A_246] : memref<4096x200xi32, #tpu.memory_space<hbm>> -> memref<128x200xi32, #tpu.memory_space<hbm>>
      %dma_wait3A_248 = arith.constant 0 : i32
      %dma_wait3A_249 = tpu.memref_slice %arg2[%mul3A_2, %dma_wait3A_248] : memref<4096x200xi32, #tpu.memory_space<hbm>> -> memref<128x200xi32, #tpu.memory_space<hbm>>
      tpu.wait_dma2 semaphore(%run_scoped3A : memref<!tpu.dma_semaphore, #tpu.memory_space<semaphore_mem>>) src(%dma_wait3A_249 : memref<128x200xi32, #tpu.memory_space<hbm>>) dst(%arg5 : memref<128x200xi32, #tpu.memory_space<vmem>>)
      tpu.yield
    }) : () -> ()
    %dma_start3A = arith.constant 0 : i32
    %dma_start3A_3 = arith.constant 0 : i32
    %dma_start3A_4 = arith.constant 0 : i32
    %dma_start3A_5 = arith.constant 0 : i32
    %dma_start3A_6 = tpu.memref_slice %arg6[%dma_start3A_3, %dma_start3A_4, %dma_start3A_5] : memref<4x200x128xf32, #tpu.memory_space<vmem>> -> memref<1x200x128xf32, #tpu.memory_space<vmem>>
    %dma_start3A_7 = tpu.memref_squeeze %dma_start3A_6 : memref<1x200x128xf32, #tpu.memory_space<vmem>> -> memref<200x128xf32, #tpu.memory_space<vmem>>
    %dma_start3A_8 = arith.constant 0 : i32
    %dma_start3A_9 = arith.constant 0 : i32
    %dma_start3A_10 = tpu.memref_slice %dma_start3A_7[%dma_start3A_8, %dma_start3A_9] : memref<200x128xf32, #tpu.memory_space<vmem>> -> memref<128x128xf32, #tpu.memory_space<vmem>>
    %dma_start3A_11 = arith.constant 0 : i32
    %dma_start3A_12 = tpu.memref_slice %arg5[%dma_start3A, %dma_start3A_11] : memref<128x200xi32, #tpu.memory_space<vmem>> -> memref<1x200xi32, #tpu.memory_space<vmem>>
    %dma_start3A_13 = tpu.memref_squeeze %dma_start3A_12 : memref<1x200xi32, #tpu.memory_space<vmem>> -> memref<200xi32, #tpu.memory_space<vmem>>
    %dma_start3A_14 = arith.constant 0 : i32
    %dma_start3A_15 = tpu.memref_slice %dma_start3A_13[%dma_start3A_14] : memref<200xi32, #tpu.memory_space<vmem>> -> memref<128xi32, #tpu.memory_space<vmem>>
    %dma_start3A_16 = arith.constant 0 : i32
    %dma_start3A_17 = arith.constant 0 : i32
    %dma_start3A_18 = tpu.memref_slice %arg3[%dma_start3A_16, %dma_start3A_17] : memref<1000000x128xf32, #tpu.memory_space<hbm>> -> memref<1000000x128xf32, #tpu.memory_space<hbm>>
    tpu.enqueue_indirect_dma source(%dma_start3A_18 : memref<1000000x128xf32, #tpu.memory_space<hbm>>) target(%dma_start3A_10 : memref<128x128xf32, #tpu.memory_space<vmem>>) offsets(%dma_start3A_15 : memref<128xi32, #tpu.memory_space<vmem>>) semaphore(%arg7 : memref<!tpu.dma_semaphore, #tpu.memory_space<semaphore_mem>>)
    %dma_start3A_19 = arith.constant 0 : i32
    %dma_start3A_20 = arith.constant 0 : i32
    %dma_start3A_21 = arith.constant 0 : i32
    %dma_start3A_22 = arith.constant 0 : i32
    %dma_start3A_23 = tpu.memref_slice %arg6[%dma_start3A_20, %dma_start3A_21, %dma_start3A_22] : memref<4x200x128xf32, #tpu.memory_space<vmem>> -> memref<1x200x128xf32, #tpu.memory_space<vmem>>
    %dma_start3A_24 = tpu.memref_squeeze %dma_start3A_23 : memref<1x200x128xf32, #tpu.memory_space<vmem>> -> memref<200x128xf32, #tpu.memory_space<vmem>>
    %dma_start3A_25 = arith.constant 128 : i32
    %dma_start3A_26 = arith.constant 0 : i32
    %dma_start3A_27 = tpu.memref_slice %dma_start3A_24[%dma_start3A_25, %dma_start3A_26] : memref<200x128xf32, #tpu.memory_space<vmem>> -> memref<72x128xf32, #tpu.memory_space<vmem>>
    %dma_start3A_28 = arith.constant 0 : i32
    %dma_start3A_29 = tpu.memref_slice %arg5[%dma_start3A_19, %dma_start3A_28] : memref<128x200xi32, #tpu.memory_space<vmem>> -> memref<1x200xi32, #tpu.memory_space<vmem>>
    %dma_start3A_30 = tpu.memref_squeeze %dma_start3A_29 : memref<1x200xi32, #tpu.memory_space<vmem>> -> memref<200xi32, #tpu.memory_space<vmem>>
    %dma_start3A_31 = arith.constant 128 : i32
    %dma_start3A_32 = tpu.memref_slice %dma_start3A_30[%dma_start3A_31] : memref<200xi32, #tpu.memory_space<vmem>> -> memref<72xi32, #tpu.memory_space<vmem>>
    %dma_start3A_33 = arith.constant 0 : i32
    %dma_start3A_34 = arith.constant 0 : i32
    %dma_start3A_35 = tpu.memref_slice %arg3[%dma_start3A_33, %dma_start3A_34] : memref<1000000x128xf32, #tpu.memory_space<hbm>> -> memref<1000000x128xf32, #tpu.memory_space<hbm>>
    tpu.enqueue_indirect_dma source(%dma_start3A_35 : memref<1000000x128xf32, #tpu.memory_space<hbm>>) target(%dma_start3A_27 : memref<72x128xf32, #tpu.memory_space<vmem>>) offsets(%dma_start3A_32 : memref<72xi32, #tpu.memory_space<vmem>>) semaphore(%arg7 : memref<!tpu.dma_semaphore, #tpu.memory_space<semaphore_mem>>)
    %dma_start3A_36 = arith.constant 1 : i32
    %dma_start3A_37 = arith.constant 1 : i32
    %dma_start3A_38 = arith.constant 0 : i32
    %dma_start3A_39 = arith.constant 0 : i32
    %dma_start3A_40 = tpu.memref_slice %arg6[%dma_start3A_37, %dma_start3A_38, %dma_start3A_39] : memref<4x200x128xf32, #tpu.memory_space<vmem>> -> memref<1x200x128xf32, #tpu.memory_space<vmem>>
    %dma_start3A_41 = tpu.memref_squeeze %dma_start3A_40 : memref<1x200x128xf32, #tpu.memory_space<vmem>> -> memref<200x128xf32, #tpu.memory_space<vmem>>
    %dma_start3A_42 = arith.constant 0 : i32
    %dma_start3A_43 = arith.constant 0 : i32
    %dma_start3A_44 = tpu.memref_slice %dma_start3A_41[%dma_start3A_42, %dma_start3A_43] : memref<200x128xf32, #tpu.memory_space<vmem>> -> memref<128x128xf32, #tpu.memory_space<vmem>>
    %dma_start3A_45 = arith.constant 0 : i32
    %dma_start3A_46 = tpu.memref_slice %arg5[%dma_start3A_36, %dma_start3A_45] : memref<128x200xi32, #tpu.memory_space<vmem>> -> memref<1x200xi32, #tpu.memory_space<vmem>>
    %dma_start3A_47 = tpu.memref_squeeze %dma_start3A_46 : memref<1x200xi32, #tpu.memory_space<vmem>> -> memref<200xi32, #tpu.memory_space<vmem>>
    %dma_start3A_48 = arith.constant 0 : i32
    %dma_start3A_49 = tpu.memref_slice %dma_start3A_47[%dma_start3A_48] : memref<200xi32, #tpu.memory_space<vmem>> -> memref<128xi32, #tpu.memory_space<vmem>>
    %dma_start3A_50 = arith.constant 0 : i32
    %dma_start3A_51 = arith.constant 0 : i32
    %dma_start3A_52 = tpu.memref_slice %arg3[%dma_start3A_50, %dma_start3A_51] : memref<1000000x128xf32, #tpu.memory_space<hbm>> -> memref<1000000x128xf32, #tpu.memory_space<hbm>>
    tpu.enqueue_indirect_dma source(%dma_start3A_52 : memref<1000000x128xf32, #tpu.memory_space<hbm>>) target(%dma_start3A_44 : memref<128x128xf32, #tpu.memory_space<vmem>>) offsets(%dma_start3A_49 : memref<128xi32, #tpu.memory_space<vmem>>) semaphore(%arg8 : memref<!tpu.dma_semaphore, #tpu.memory_space<semaphore_mem>>)
    %dma_start3A_53 = arith.constant 1 : i32
    %dma_start3A_54 = arith.constant 1 : i32
    %dma_start3A_55 = arith.constant 0 : i32
    %dma_start3A_56 = arith.constant 0 : i32
    %dma_start3A_57 = tpu.memref_slice %arg6[%dma_start3A_54, %dma_start3A_55, %dma_start3A_56] : memref<4x200x128xf32, #tpu.memory_space<vmem>> -> memref<1x200x128xf32, #tpu.memory_space<vmem>>
    %dma_start3A_58 = tpu.memref_squeeze %dma_start3A_57 : memref<1x200x128xf32, #tpu.memory_space<vmem>> -> memref<200x128xf32, #tpu.memory_space<vmem>>
    %dma_start3A_59 = arith.constant 128 : i32
    %dma_start3A_60 = arith.constant 0 : i32
    %dma_start3A_61 = tpu.memref_slice %dma_start3A_58[%dma_start3A_59, %dma_start3A_60] : memref<200x128xf32, #tpu.memory_space<vmem>> -> memref<72x128xf32, #tpu.memory_space<vmem>>
    %dma_start3A_62 = arith.constant 0 : i32
    %dma_start3A_63 = tpu.memref_slice %arg5[%dma_start3A_53, %dma_start3A_62] : memref<128x200xi32, #tpu.memory_space<vmem>> -> memref<1x200xi32, #tpu.memory_space<vmem>>
    %dma_start3A_64 = tpu.memref_squeeze %dma_start3A_63 : memref<1x200xi32, #tpu.memory_space<vmem>> -> memref<200xi32, #tpu.memory_space<vmem>>
    %dma_start3A_65 = arith.constant 128 : i32
    %dma_start3A_66 = tpu.memref_slice %dma_start3A_64[%dma_start3A_65] : memref<200xi32, #tpu.memory_space<vmem>> -> memref<72xi32, #tpu.memory_space<vmem>>
    %dma_start3A_67 = arith.constant 0 : i32
    %dma_start3A_68 = arith.constant 0 : i32
    %dma_start3A_69 = tpu.memref_slice %arg3[%dma_start3A_67, %dma_start3A_68] : memref<1000000x128xf32, #tpu.memory_space<hbm>> -> memref<1000000x128xf32, #tpu.memory_space<hbm>>
    tpu.enqueue_indirect_dma source(%dma_start3A_69 : memref<1000000x128xf32, #tpu.memory_space<hbm>>) target(%dma_start3A_61 : memref<72x128xf32, #tpu.memory_space<vmem>>) offsets(%dma_start3A_66 : memref<72xi32, #tpu.memory_space<vmem>>) semaphore(%arg8 : memref<!tpu.dma_semaphore, #tpu.memory_space<semaphore_mem>>)
    %dma_start3A_70 = arith.constant 2 : i32
    %dma_start3A_71 = arith.constant 2 : i32
    %dma_start3A_72 = arith.constant 0 : i32
    %dma_start3A_73 = arith.constant 0 : i32
    %dma_start3A_74 = tpu.memref_slice %arg6[%dma_start3A_71, %dma_start3A_72, %dma_start3A_73] : memref<4x200x128xf32, #tpu.memory_space<vmem>> -> memref<1x200x128xf32, #tpu.memory_space<vmem>>
    %dma_start3A_75 = tpu.memref_squeeze %dma_start3A_74 : memref<1x200x128xf32, #tpu.memory_space<vmem>> -> memref<200x128xf32, #tpu.memory_space<vmem>>
    %dma_start3A_76 = arith.constant 0 : i32
    %dma_start3A_77 = arith.constant 0 : i32
    %dma_start3A_78 = tpu.memref_slice %dma_start3A_75[%dma_start3A_76, %dma_start3A_77] : memref<200x128xf32, #tpu.memory_space<vmem>> -> memref<128x128xf32, #tpu.memory_space<vmem>>
    %dma_start3A_79 = arith.constant 0 : i32
    %dma_start3A_80 = tpu.memref_slice %arg5[%dma_start3A_70, %dma_start3A_79] : memref<128x200xi32, #tpu.memory_space<vmem>> -> memref<1x200xi32, #tpu.memory_space<vmem>>
    %dma_start3A_81 = tpu.memref_squeeze %dma_start3A_80 : memref<1x200xi32, #tpu.memory_space<vmem>> -> memref<200xi32, #tpu.memory_space<vmem>>
    %dma_start3A_82 = arith.constant 0 : i32
    %dma_start3A_83 = tpu.memref_slice %dma_start3A_81[%dma_start3A_82] : memref<200xi32, #tpu.memory_space<vmem>> -> memref<128xi32, #tpu.memory_space<vmem>>
    %dma_start3A_84 = arith.constant 0 : i32
    %dma_start3A_85 = arith.constant 0 : i32
    %dma_start3A_86 = tpu.memref_slice %arg3[%dma_start3A_84, %dma_start3A_85] : memref<1000000x128xf32, #tpu.memory_space<hbm>> -> memref<1000000x128xf32, #tpu.memory_space<hbm>>
    tpu.enqueue_indirect_dma source(%dma_start3A_86 : memref<1000000x128xf32, #tpu.memory_space<hbm>>) target(%dma_start3A_78 : memref<128x128xf32, #tpu.memory_space<vmem>>) offsets(%dma_start3A_83 : memref<128xi32, #tpu.memory_space<vmem>>) semaphore(%arg9 : memref<!tpu.dma_semaphore, #tpu.memory_space<semaphore_mem>>)
    %dma_start3A_87 = arith.constant 2 : i32
    %dma_start3A_88 = arith.constant 2 : i32
    %dma_start3A_89 = arith.constant 0 : i32
    %dma_start3A_90 = arith.constant 0 : i32
    %dma_start3A_91 = tpu.memref_slice %arg6[%dma_start3A_88, %dma_start3A_89, %dma_start3A_90] : memref<4x200x128xf32, #tpu.memory_space<vmem>> -> memref<1x200x128xf32, #tpu.memory_space<vmem>>
    %dma_start3A_92 = tpu.memref_squeeze %dma_start3A_91 : memref<1x200x128xf32, #tpu.memory_space<vmem>> -> memref<200x128xf32, #tpu.memory_space<vmem>>
    %dma_start3A_93 = arith.constant 128 : i32
    %dma_start3A_94 = arith.constant 0 : i32
    %dma_start3A_95 = tpu.memref_slice %dma_start3A_92[%dma_start3A_93, %dma_start3A_94] : memref<200x128xf32, #tpu.memory_space<vmem>> -> memref<72x128xf32, #tpu.memory_space<vmem>>
    %dma_start3A_96 = arith.constant 0 : i32
    %dma_start3A_97 = tpu.memref_slice %arg5[%dma_start3A_87, %dma_start3A_96] : memref<128x200xi32, #tpu.memory_space<vmem>> -> memref<1x200xi32, #tpu.memory_space<vmem>>
    %dma_start3A_98 = tpu.memref_squeeze %dma_start3A_97 : memref<1x200xi32, #tpu.memory_space<vmem>> -> memref<200xi32, #tpu.memory_space<vmem>>
    %dma_start3A_99 = arith.constant 128 : i32
    %dma_start3A_100 = tpu.memref_slice %dma_start3A_98[%dma_start3A_99] : memref<200xi32, #tpu.memory_space<vmem>> -> memref<72xi32, #tpu.memory_space<vmem>>
    %dma_start3A_101 = arith.constant 0 : i32
    %dma_start3A_102 = arith.constant 0 : i32
    %dma_start3A_103 = tpu.memref_slice %arg3[%dma_start3A_101, %dma_start3A_102] : memref<1000000x128xf32, #tpu.memory_space<hbm>> -> memref<1000000x128xf32, #tpu.memory_space<hbm>>
    tpu.enqueue_indirect_dma source(%dma_start3A_103 : memref<1000000x128xf32, #tpu.memory_space<hbm>>) target(%dma_start3A_95 : memref<72x128xf32, #tpu.memory_space<vmem>>) offsets(%dma_start3A_100 : memref<72xi32, #tpu.memory_space<vmem>>) semaphore(%arg9 : memref<!tpu.dma_semaphore, #tpu.memory_space<semaphore_mem>>)
    %dma_start3A_104 = arith.constant 3 : i32
    %dma_start3A_105 = arith.constant 3 : i32
    %dma_start3A_106 = arith.constant 0 : i32
    %dma_start3A_107 = arith.constant 0 : i32
    %dma_start3A_108 = tpu.memref_slice %arg6[%dma_start3A_105, %dma_start3A_106, %dma_start3A_107] : memref<4x200x128xf32, #tpu.memory_space<vmem>> -> memref<1x200x128xf32, #tpu.memory_space<vmem>>
    %dma_start3A_109 = tpu.memref_squeeze %dma_start3A_108 : memref<1x200x128xf32, #tpu.memory_space<vmem>> -> memref<200x128xf32, #tpu.memory_space<vmem>>
    %dma_start3A_110 = arith.constant 0 : i32
    %dma_start3A_111 = arith.constant 0 : i32
    %dma_start3A_112 = tpu.memref_slice %dma_start3A_109[%dma_start3A_110, %dma_start3A_111] : memref<200x128xf32, #tpu.memory_space<vmem>> -> memref<128x128xf32, #tpu.memory_space<vmem>>
    %dma_start3A_113 = arith.constant 0 : i32
    %dma_start3A_114 = tpu.memref_slice %arg5[%dma_start3A_104, %dma_start3A_113] : memref<128x200xi32, #tpu.memory_space<vmem>> -> memref<1x200xi32, #tpu.memory_space<vmem>>
    %dma_start3A_115 = tpu.memref_squeeze %dma_start3A_114 : memref<1x200xi32, #tpu.memory_space<vmem>> -> memref<200xi32, #tpu.memory_space<vmem>>
    %dma_start3A_116 = arith.constant 0 : i32
    %dma_start3A_117 = tpu.memref_slice %dma_start3A_115[%dma_start3A_116] : memref<200xi32, #tpu.memory_space<vmem>> -> memref<128xi32, #tpu.memory_space<vmem>>
    %dma_start3A_118 = arith.constant 0 : i32
    %dma_start3A_119 = arith.constant 0 : i32
    %dma_start3A_120 = tpu.memref_slice %arg3[%dma_start3A_118, %dma_start3A_119] : memref<1000000x128xf32, #tpu.memory_space<hbm>> -> memref<1000000x128xf32, #tpu.memory_space<hbm>>
    tpu.enqueue_indirect_dma source(%dma_start3A_120 : memref<1000000x128xf32, #tpu.memory_space<hbm>>) target(%dma_start3A_112 : memref<128x128xf32, #tpu.memory_space<vmem>>) offsets(%dma_start3A_117 : memref<128xi32, #tpu.memory_space<vmem>>) semaphore(%arg10 : memref<!tpu.dma_semaphore, #tpu.memory_space<semaphore_mem>>)
    %dma_start3A_121 = arith.constant 3 : i32
    %dma_start3A_122 = arith.constant 3 : i32
    %dma_start3A_123 = arith.constant 0 : i32
    %dma_start3A_124 = arith.constant 0 : i32
    %dma_start3A_125 = tpu.memref_slice %arg6[%dma_start3A_122, %dma_start3A_123, %dma_start3A_124] : memref<4x200x128xf32, #tpu.memory_space<vmem>> -> memref<1x200x128xf32, #tpu.memory_space<vmem>>
    %dma_start3A_126 = tpu.memref_squeeze %dma_start3A_125 : memref<1x200x128xf32, #tpu.memory_space<vmem>> -> memref<200x128xf32, #tpu.memory_space<vmem>>
    %dma_start3A_127 = arith.constant 128 : i32
    %dma_start3A_128 = arith.constant 0 : i32
    %dma_start3A_129 = tpu.memref_slice %dma_start3A_126[%dma_start3A_127, %dma_start3A_128] : memref<200x128xf32, #tpu.memory_space<vmem>> -> memref<72x128xf32, #tpu.memory_space<vmem>>
    %dma_start3A_130 = arith.constant 0 : i32
    %dma_start3A_131 = tpu.memref_slice %arg5[%dma_start3A_121, %dma_start3A_130] : memref<128x200xi32, #tpu.memory_space<vmem>> -> memref<1x200xi32, #tpu.memory_space<vmem>>
    %dma_start3A_132 = tpu.memref_squeeze %dma_start3A_131 : memref<1x200xi32, #tpu.memory_space<vmem>> -> memref<200xi32, #tpu.memory_space<vmem>>
    %dma_start3A_133 = arith.constant 128 : i32
    %dma_start3A_134 = tpu.memref_slice %dma_start3A_132[%dma_start3A_133] : memref<200xi32, #tpu.memory_space<vmem>> -> memref<72xi32, #tpu.memory_space<vmem>>
    %dma_start3A_135 = arith.constant 0 : i32
    %dma_start3A_136 = arith.constant 0 : i32
    %dma_start3A_137 = tpu.memref_slice %arg3[%dma_start3A_135, %dma_start3A_136] : memref<1000000x128xf32, #tpu.memory_space<hbm>> -> memref<1000000x128xf32, #tpu.memory_space<hbm>>
    tpu.enqueue_indirect_dma source(%dma_start3A_137 : memref<1000000x128xf32, #tpu.memory_space<hbm>>) target(%dma_start3A_129 : memref<72x128xf32, #tpu.memory_space<vmem>>) offsets(%dma_start3A_134 : memref<72xi32, #tpu.memory_space<vmem>>) semaphore(%arg10 : memref<!tpu.dma_semaphore, #tpu.memory_space<semaphore_mem>>)
    %scan3A = arith.constant 0 : i32
    %scan3A_138 = arith.constant 0 : i32
    %scan3A_139 = arith.constant 32 : i32
    %scan3A_140 = arith.addi %scan3A_138, %scan3A_139 : i32
    %scan3A_141 = arith.constant 1 : i32
    scf.for %scan3A_242 = %scan3A_138 to %scan3A_140 step %scan3A_141  : i32 {
      %mul3A_243 = arith.constant 4 : i32
      %mul3A_244 = arith.muli %scan3A_242, %mul3A_243 : i32
      %add3A_245 = arith.constant 0 : i32
      %add3A_246 = arith.addi %mul3A_244, %add3A_245 : i32
      %dma_wait3A_247 = arith.constant 0 : i32
      %dma_wait3A_248 = arith.constant 0 : i32
      %dma_wait3A_249 = arith.constant 0 : i32
      %dma_wait3A_250 = tpu.memref_slice %arg6[%dma_wait3A_247, %dma_wait3A_248, %dma_wait3A_249] : memref<4x200x128xf32, #tpu.memory_space<vmem>> -> memref<1x200x128xf32, #tpu.memory_space<vmem>>
      %dma_wait3A_251 = tpu.memref_squeeze %dma_wait3A_250 : memref<1x200x128xf32, #tpu.memory_space<vmem>> -> memref<200x128xf32, #tpu.memory_space<vmem>>
      %dma_wait3A_252 = arith.constant 0 : i32
      %dma_wait3A_253 = arith.constant 0 : i32
      %dma_wait3A_254 = tpu.memref_slice %dma_wait3A_251[%dma_wait3A_252, %dma_wait3A_253] : memref<200x128xf32, #tpu.memory_space<vmem>> -> memref<128x128xf32, #tpu.memory_space<vmem>>
      %dma_wait3A_255 = arith.constant 0 : i32
      %dma_wait3A_256 = tpu.memref_slice %arg5[%add3A_246, %dma_wait3A_255] : memref<128x200xi32, #tpu.memory_space<vmem>> -> memref<1x200xi32, #tpu.memory_space<vmem>>
      %dma_wait3A_257 = tpu.memref_squeeze %dma_wait3A_256 : memref<1x200xi32, #tpu.memory_space<vmem>> -> memref<200xi32, #tpu.memory_space<vmem>>
      %dma_wait3A_258 = arith.constant 0 : i32
      %dma_wait3A_259 = tpu.memref_slice %dma_wait3A_257[%dma_wait3A_258] : memref<200xi32, #tpu.memory_space<vmem>> -> memref<128xi32, #tpu.memory_space<vmem>>
      %dma_wait3A_260 = arith.constant 0 : i32
      %dma_wait3A_261 = arith.constant 0 : i32
      %dma_wait3A_262 = tpu.memref_slice %arg3[%dma_wait3A_260, %dma_wait3A_261] : memref<1000000x128xf32, #tpu.memory_space<hbm>> -> memref<1000000x128xf32, #tpu.memory_space<hbm>>
      tpu.wait_indirect_dma semaphore(%arg7 : memref<!tpu.dma_semaphore, #tpu.memory_space<semaphore_mem>>) src(%dma_wait3A_262 : memref<1000000x128xf32, #tpu.memory_space<hbm>>) dst(%dma_wait3A_254 : memref<128x128xf32, #tpu.memory_space<vmem>>)
      %dma_wait3A_263 = arith.constant 0 : i32
      %dma_wait3A_264 = arith.constant 0 : i32
      %dma_wait3A_265 = arith.constant 0 : i32
      %dma_wait3A_266 = tpu.memref_slice %arg6[%dma_wait3A_263, %dma_wait3A_264, %dma_wait3A_265] : memref<4x200x128xf32, #tpu.memory_space<vmem>> -> memref<1x200x128xf32, #tpu.memory_space<vmem>>
      %dma_wait3A_267 = tpu.memref_squeeze %dma_wait3A_266 : memref<1x200x128xf32, #tpu.memory_space<vmem>> -> memref<200x128xf32, #tpu.memory_space<vmem>>
      %dma_wait3A_268 = arith.constant 128 : i32
      %dma_wait3A_269 = arith.constant 0 : i32
      %dma_wait3A_270 = tpu.memref_slice %dma_wait3A_267[%dma_wait3A_268, %dma_wait3A_269] : memref<200x128xf32, #tpu.memory_space<vmem>> -> memref<72x128xf32, #tpu.memory_space<vmem>>
      %dma_wait3A_271 = arith.constant 0 : i32
      %dma_wait3A_272 = tpu.memref_slice %arg5[%add3A_246, %dma_wait3A_271] : memref<128x200xi32, #tpu.memory_space<vmem>> -> memref<1x200xi32, #tpu.memory_space<vmem>>
      %dma_wait3A_273 = tpu.memref_squeeze %dma_wait3A_272 : memref<1x200xi32, #tpu.memory_space<vmem>> -> memref<200xi32, #tpu.memory_space<vmem>>
      %dma_wait3A_274 = arith.constant 128 : i32
      %dma_wait3A_275 = tpu.memref_slice %dma_wait3A_273[%dma_wait3A_274] : memref<200xi32, #tpu.memory_space<vmem>> -> memref<72xi32, #tpu.memory_space<vmem>>
      %dma_wait3A_276 = arith.constant 0 : i32
      %dma_wait3A_277 = arith.constant 0 : i32
      %dma_wait3A_278 = tpu.memref_slice %arg3[%dma_wait3A_276, %dma_wait3A_277] : memref<1000000x128xf32, #tpu.memory_space<hbm>> -> memref<1000000x128xf32, #tpu.memory_space<hbm>>
      tpu.wait_indirect_dma semaphore(%arg7 : memref<!tpu.dma_semaphore, #tpu.memory_space<semaphore_mem>>) src(%dma_wait3A_278 : memref<1000000x128xf32, #tpu.memory_space<hbm>>) dst(%dma_wait3A_270 : memref<72x128xf32, #tpu.memory_space<vmem>>)
      %add3A_279 = arith.addi %mul3A_2, %add3A_246 : i32
      %dma_start3A_280 = arith.constant 0 : i32
      %dma_start3A_281 = arith.constant 0 : i32
      %dma_start3A_282 = arith.constant 0 : i32
      %dma_start3A_283 = tpu.memref_slice %arg6[%dma_start3A_280, %dma_start3A_281, %dma_start3A_282] : memref<4x200x128xf32, #tpu.memory_space<vmem>> -> memref<1x200x128xf32, #tpu.memory_space<vmem>>
      %dma_start3A_284 = tpu.memref_squeeze %dma_start3A_283 : memref<1x200x128xf32, #tpu.memory_space<vmem>> -> memref<200x128xf32, #tpu.memory_space<vmem>>
      %dma_start3A_285 = arith.constant 0 : i32
      %dma_start3A_286 = arith.constant 0 : i32
      %dma_start3A_287 = tpu.memref_slice %dma_start3A_284[%dma_start3A_285, %dma_start3A_286] : memref<200x128xf32, #tpu.memory_space<vmem>> -> memref<200x64xf32, #tpu.memory_space<vmem>>
      %dma_start3A_288 = arith.constant 0 : i32
      %dma_start3A_289 = arith.constant 0 : i32
      %dma_start3A_290 = tpu.memref_slice %arg4[%add3A_279, %dma_start3A_288, %dma_start3A_289] : memref<4096x200x128xf32, #tpu.memory_space<hbm>> -> memref<1x200x64xf32, #tpu.memory_space<hbm>>
      %dma_start3A_291 = tpu.memref_squeeze %dma_start3A_290 : memref<1x200x64xf32, #tpu.memory_space<hbm>> -> memref<200x64xf32, #tpu.memory_space<hbm>>
      %dma_start3A_292 = arith.constant 0 : i32
      %dma_start3A_293 = arith.constant 0 : i32
      %dma_start3A_294 = tpu.memref_slice %arg4[%add3A_279, %dma_start3A_292, %dma_start3A_293] : memref<4096x200x128xf32, #tpu.memory_space<hbm>> -> memref<1x200x64xf32, #tpu.memory_space<hbm>>
      %dma_start3A_295 = tpu.memref_squeeze %dma_start3A_294 : memref<1x200x64xf32, #tpu.memory_space<hbm>> -> memref<200x64xf32, #tpu.memory_space<hbm>>
      %dma_start3A_296 = arith.constant 0 : i32
      %dma_start3A_297 = arith.constant 0 : i32
      %dma_start3A_298 = tpu.memref_slice %arg6[%dma_start3A_280, %dma_start3A_296, %dma_start3A_297] : memref<4x200x128xf32, #tpu.memory_space<vmem>> -> memref<1x200x128xf32, #tpu.memory_space<vmem>>
      %dma_start3A_299 = tpu.memref_squeeze %dma_start3A_298 : memref<1x200x128xf32, #tpu.memory_space<vmem>> -> memref<200x128xf32, #tpu.memory_space<vmem>>
      %dma_start3A_300 = arith.constant 0 : i32
      %dma_start3A_301 = arith.constant 0 : i32
      %dma_start3A_302 = tpu.memref_slice %dma_start3A_299[%dma_start3A_300, %dma_start3A_301] : memref<200x128xf32, #tpu.memory_space<vmem>> -> memref<200x64xf32, #tpu.memory_space<vmem>>
      tpu.enqueue_dma source(%dma_start3A_302 : memref<200x64xf32, #tpu.memory_space<vmem>>) target(%dma_start3A_295 : memref<200x64xf32, #tpu.memory_space<hbm>>) target_semaphore(%arg11 : memref<!tpu.dma_semaphore, #tpu.memory_space<semaphore_mem>>)
      %add3A_303 = arith.constant 2 : i32
      %add3A_304 = arith.addi %add3A_246, %add3A_303 : i32
      %ge3A = arith.constant 4 : i32
      %ge3A_305 = arith.cmpi sge, %add3A_304, %ge3A : i32
      %lt3A = arith.constant 128 : i32
      %lt3A_306 = arith.cmpi slt, %add3A_304, %lt3A : i32
      %and3A = arith.andi %ge3A_305, %lt3A_306 : i1
      %convert_element_type3A = arith.extui %and3A : i1 to i32
      %cond3A = arith.constant 0 : i32
      %cond3A_307 = arith.cmpi ne, %convert_element_type3A, %cond3A : i32
      scf.if %cond3A_307 {
        %sub3A = arith.constant 4 : i32
        %sub3A_518 = arith.subi %add3A_304, %sub3A : i32
        %add3A_519 = arith.addi %mul3A_2, %sub3A_518 : i32
        %dma_wait3A_520 = arith.constant 2 : i32
        %dma_wait3A_521 = arith.constant 0 : i32
        %dma_wait3A_522 = arith.constant 0 : i32
        %dma_wait3A_523 = tpu.memref_slice %arg6[%dma_wait3A_520, %dma_wait3A_521, %dma_wait3A_522] : memref<4x200x128xf32, #tpu.memory_space<vmem>> -> memref<1x200x128xf32, #tpu.memory_space<vmem>>
        %dma_wait3A_524 = tpu.memref_squeeze %dma_wait3A_523 : memref<1x200x128xf32, #tpu.memory_space<vmem>> -> memref<200x128xf32, #tpu.memory_space<vmem>>
        %dma_wait3A_525 = arith.constant 0 : i32
        %dma_wait3A_526 = arith.constant 0 : i32
        %dma_wait3A_527 = tpu.memref_slice %dma_wait3A_524[%dma_wait3A_525, %dma_wait3A_526] : memref<200x128xf32, #tpu.memory_space<vmem>> -> memref<200x64xf32, #tpu.memory_space<vmem>>
        %dma_wait3A_528 = arith.constant 0 : i32
        %dma_wait3A_529 = arith.constant 0 : i32
        %dma_wait3A_530 = tpu.memref_slice %arg4[%add3A_519, %dma_wait3A_528, %dma_wait3A_529] : memref<4096x200x128xf32, #tpu.memory_space<hbm>> -> memref<1x200x64xf32, #tpu.memory_space<hbm>>
        %dma_wait3A_531 = tpu.memref_squeeze %dma_wait3A_530 : memref<1x200x64xf32, #tpu.memory_space<hbm>> -> memref<200x64xf32, #tpu.memory_space<hbm>>
        %dma_wait3A_532 = arith.constant 0 : i32
        %dma_wait3A_533 = arith.constant 0 : i32
        %dma_wait3A_534 = tpu.memref_slice %arg4[%add3A_519, %dma_wait3A_532, %dma_wait3A_533] : memref<4096x200x128xf32, #tpu.memory_space<hbm>> -> memref<1x200x64xf32, #tpu.memory_space<hbm>>
        %dma_wait3A_535 = tpu.memref_squeeze %dma_wait3A_534 : memref<1x200x64xf32, #tpu.memory_space<hbm>> -> memref<200x64xf32, #tpu.memory_space<hbm>>
        %dma_wait3A_536 = arith.constant 0 : i32
        %dma_wait3A_537 = arith.constant 0 : i32
        %dma_wait3A_538 = tpu.memref_slice %arg6[%dma_wait3A_520, %dma_wait3A_536, %dma_wait3A_537] : memref<4x200x128xf32, #tpu.memory_space<vmem>> -> memref<1x200x128xf32, #tpu.memory_space<vmem>>
        %dma_wait3A_539 = tpu.memref_squeeze %dma_wait3A_538 : memref<1x200x128xf32, #tpu.memory_space<vmem>> -> memref<200x128xf32, #tpu.memory_space<vmem>>
        %dma_wait3A_540 = arith.constant 0 : i32
        %dma_wait3A_541 = arith.constant 0 : i32
        %dma_wait3A_542 = tpu.memref_slice %dma_wait3A_539[%dma_wait3A_540, %dma_wait3A_541] : memref<200x128xf32, #tpu.memory_space<vmem>> -> memref<200x64xf32, #tpu.memory_space<vmem>>
        tpu.wait_dma2 semaphore(%arg13 : memref<!tpu.dma_semaphore, #tpu.memory_space<semaphore_mem>>) src(%dma_wait3A_542 : memref<200x64xf32, #tpu.memory_space<vmem>>) dst(%dma_wait3A_535 : memref<200x64xf32, #tpu.memory_space<hbm>>)
        %dma_start3A_543 = arith.constant 2 : i32
        %dma_start3A_544 = arith.constant 0 : i32
        %dma_start3A_545 = arith.constant 0 : i32
        %dma_start3A_546 = tpu.memref_slice %arg6[%dma_start3A_543, %dma_start3A_544, %dma_start3A_545] : memref<4x200x128xf32, #tpu.memory_space<vmem>> -> memref<1x200x128xf32, #tpu.memory_space<vmem>>
        %dma_start3A_547 = tpu.memref_squeeze %dma_start3A_546 : memref<1x200x128xf32, #tpu.memory_space<vmem>> -> memref<200x128xf32, #tpu.memory_space<vmem>>
        %dma_start3A_548 = arith.constant 0 : i32
        %dma_start3A_549 = arith.constant 0 : i32
        %dma_start3A_550 = tpu.memref_slice %dma_start3A_547[%dma_start3A_548, %dma_start3A_549] : memref<200x128xf32, #tpu.memory_space<vmem>> -> memref<128x128xf32, #tpu.memory_space<vmem>>
        %dma_start3A_551 = arith.constant 0 : i32
        %dma_start3A_552 = tpu.memref_slice %arg5[%add3A_304, %dma_start3A_551] : memref<128x200xi32, #tpu.memory_space<vmem>> -> memref<1x200xi32, #tpu.memory_space<vmem>>
        %dma_start3A_553 = tpu.memref_squeeze %dma_start3A_552 : memref<1x200xi32, #tpu.memory_space<vmem>> -> memref<200xi32, #tpu.memory_space<vmem>>
        %dma_start3A_554 = arith.constant 0 : i32
        %dma_start3A_555 = tpu.memref_slice %dma_start3A_553[%dma_start3A_554] : memref<200xi32, #tpu.memory_space<vmem>> -> memref<128xi32, #tpu.memory_space<vmem>>
        %dma_start3A_556 = arith.constant 0 : i32
        %dma_start3A_557 = arith.constant 0 : i32
        %dma_start3A_558 = tpu.memref_slice %arg3[%dma_start3A_556, %dma_start3A_557] : memref<1000000x128xf32, #tpu.memory_space<hbm>> -> memref<1000000x128xf32, #tpu.memory_space<hbm>>
        tpu.enqueue_indirect_dma source(%dma_start3A_558 : memref<1000000x128xf32, #tpu.memory_space<hbm>>) target(%dma_start3A_550 : memref<128x128xf32, #tpu.memory_space<vmem>>) offsets(%dma_start3A_555 : memref<128xi32, #tpu.memory_space<vmem>>) semaphore(%arg9 : memref<!tpu.dma_semaphore, #tpu.memory_space<semaphore_mem>>)
        %dma_start3A_559 = arith.constant 2 : i32
        %dma_start3A_560 = arith.constant 0 : i32
        %dma_start3A_561 = arith.constant 0 : i32
        %dma_start3A_562 = tpu.memref_slice %arg6[%dma_start3A_559, %dma_start3A_560, %dma_start3A_561] : memref<4x200x128xf32, #tpu.memory_space<vmem>> -> memref<1x200x128xf32, #tpu.memory_space<vmem>>
        %dma_start3A_563 = tpu.memref_squeeze %dma_start3A_562 : memref<1x200x128xf32, #tpu.memory_space<vmem>> -> memref<200x128xf32, #tpu.memory_space<vmem>>
        %dma_start3A_564 = arith.constant 128 : i32
        %dma_start3A_565 = arith.constant 0 : i32
        %dma_start3A_566 = tpu.memref_slice %dma_start3A_563[%dma_start3A_564, %dma_start3A_565] : memref<200x128xf32, #tpu.memory_space<vmem>> -> memref<72x128xf32, #tpu.memory_space<vmem>>
        %dma_start3A_567 = arith.constant 0 : i32
        %dma_start3A_568 = tpu.memref_slice %arg5[%add3A_304, %dma_start3A_567] : memref<128x200xi32, #tpu.memory_space<vmem>> -> memref<1x200xi32, #tpu.memory_space<vmem>>
        %dma_start3A_569 = tpu.memref_squeeze %dma_start3A_568 : memref<1x200xi32, #tpu.memory_space<vmem>> -> memref<200xi32, #tpu.memory_space<vmem>>
        %dma_start3A_570 = arith.constant 128 : i32
        %dma_start3A_571 = tpu.memref_slice %dma_start3A_569[%dma_start3A_570] : memref<200xi32, #tpu.memory_space<vmem>> -> memref<72xi32, #tpu.memory_space<vmem>>
        %dma_start3A_572 = arith.constant 0 : i32
        %dma_start3A_573 = arith.constant 0 : i32
        %dma_start3A_574 = tpu.memref_slice %arg3[%dma_start3A_572, %dma_start3A_573] : memref<1000000x128xf32, #tpu.memory_space<hbm>> -> memref<1000000x128xf32, #tpu.memory_space<hbm>>
        tpu.enqueue_indirect_dma source(%dma_start3A_574 : memref<1000000x128xf32, #tpu.memory_space<hbm>>) target(%dma_start3A_566 : memref<72x128xf32, #tpu.memory_space<vmem>>) offsets(%dma_start3A_571 : memref<72xi32, #tpu.memory_space<vmem>>) semaphore(%arg9 : memref<!tpu.dma_semaphore, #tpu.memory_space<semaphore_mem>>)
      } else {
      }
      %mul3A_308 = arith.constant 4 : i32
      %mul3A_309 = arith.muli %scan3A_242, %mul3A_308 : i32
      %add3A_310 = arith.constant 1 : i32
      %add3A_311 = arith.addi %mul3A_309, %add3A_310 : i32
      %dma_wait3A_312 = arith.constant 1 : i32
      %dma_wait3A_313 = arith.constant 0 : i32
      %dma_wait3A_314 = arith.constant 0 : i32
      %dma_wait3A_315 = tpu.memref_slice %arg6[%dma_wait3A_312, %dma_wait3A_313, %dma_wait3A_314] : memref<4x200x128xf32, #tpu.memory_space<vmem>> -> memref<1x200x128xf32, #tpu.memory_space<vmem>>
      %dma_wait3A_316 = tpu.memref_squeeze %dma_wait3A_315 : memref<1x200x128xf32, #tpu.memory_space<vmem>> -> memref<200x128xf32, #tpu.memory_space<vmem>>
      %dma_wait3A_317 = arith.constant 0 : i32
      %dma_wait3A_318 = arith.constant 0 : i32
      %dma_wait3A_319 = tpu.memref_slice %dma_wait3A_316[%dma_wait3A_317, %dma_wait3A_318] : memref<200x128xf32, #tpu.memory_space<vmem>> -> memref<128x128xf32, #tpu.memory_space<vmem>>
      %dma_wait3A_320 = arith.constant 0 : i32
      %dma_wait3A_321 = tpu.memref_slice %arg5[%add3A_311, %dma_wait3A_320] : memref<128x200xi32, #tpu.memory_space<vmem>> -> memref<1x200xi32, #tpu.memory_space<vmem>>
      %dma_wait3A_322 = tpu.memref_squeeze %dma_wait3A_321 : memref<1x200xi32, #tpu.memory_space<vmem>> -> memref<200xi32, #tpu.memory_space<vmem>>
      %dma_wait3A_323 = arith.constant 0 : i32
      %dma_wait3A_324 = tpu.memref_slice %dma_wait3A_322[%dma_wait3A_323] : memref<200xi32, #tpu.memory_space<vmem>> -> memref<128xi32, #tpu.memory_space<vmem>>
      %dma_wait3A_325 = arith.constant 0 : i32
      %dma_wait3A_326 = arith.constant 0 : i32
      %dma_wait3A_327 = tpu.memref_slice %arg3[%dma_wait3A_325, %dma_wait3A_326] : memref<1000000x128xf32, #tpu.memory_space<hbm>> -> memref<1000000x128xf32, #tpu.memory_space<hbm>>
      tpu.wait_indirect_dma semaphore(%arg8 : memref<!tpu.dma_semaphore, #tpu.memory_space<semaphore_mem>>) src(%dma_wait3A_327 : memref<1000000x128xf32, #tpu.memory_space<hbm>>) dst(%dma_wait3A_319 : memref<128x128xf32, #tpu.memory_space<vmem>>)
      %dma_wait3A_328 = arith.constant 1 : i32
      %dma_wait3A_329 = arith.constant 0 : i32
      %dma_wait3A_330 = arith.constant 0 : i32
      %dma_wait3A_331 = tpu.memref_slice %arg6[%dma_wait3A_328, %dma_wait3A_329, %dma_wait3A_330] : memref<4x200x128xf32, #tpu.memory_space<vmem>> -> memref<1x200x128xf32, #tpu.memory_space<vmem>>
      %dma_wait3A_332 = tpu.memref_squeeze %dma_wait3A_331 : memref<1x200x128xf32, #tpu.memory_space<vmem>> -> memref<200x128xf32, #tpu.memory_space<vmem>>
      %dma_wait3A_333 = arith.constant 128 : i32
      %dma_wait3A_334 = arith.constant 0 : i32
      %dma_wait3A_335 = tpu.memref_slice %dma_wait3A_332[%dma_wait3A_333, %dma_wait3A_334] : memref<200x128xf32, #tpu.memory_space<vmem>> -> memref<72x128xf32, #tpu.memory_space<vmem>>
      %dma_wait3A_336 = arith.constant 0 : i32
      %dma_wait3A_337 = tpu.memref_slice %arg5[%add3A_311, %dma_wait3A_336] : memref<128x200xi32, #tpu.memory_space<vmem>> -> memref<1x200xi32, #tpu.memory_space<vmem>>
      %dma_wait3A_338 = tpu.memref_squeeze %dma_wait3A_337 : memref<1x200xi32, #tpu.memory_space<vmem>> -> memref<200xi32, #tpu.memory_space<vmem>>
      %dma_wait3A_339 = arith.constant 128 : i32
      %dma_wait3A_340 = tpu.memref_slice %dma_wait3A_338[%dma_wait3A_339] : memref<200xi32, #tpu.memory_space<vmem>> -> memref<72xi32, #tpu.memory_space<vmem>>
      %dma_wait3A_341 = arith.constant 0 : i32
      %dma_wait3A_342 = arith.constant 0 : i32
      %dma_wait3A_343 = tpu.memref_slice %arg3[%dma_wait3A_341, %dma_wait3A_342] : memref<1000000x128xf32, #tpu.memory_space<hbm>> -> memref<1000000x128xf32, #tpu.memory_space<hbm>>
      tpu.wait_indirect_dma semaphore(%arg8 : memref<!tpu.dma_semaphore, #tpu.memory_space<semaphore_mem>>) src(%dma_wait3A_343 : memref<1000000x128xf32, #tpu.memory_space<hbm>>) dst(%dma_wait3A_335 : memref<72x128xf32, #tpu.memory_space<vmem>>)
      %add3A_344 = arith.addi %mul3A_2, %add3A_311 : i32
      %dma_start3A_345 = arith.constant 1 : i32
      %dma_start3A_346 = arith.constant 0 : i32
      %dma_start3A_347 = arith.constant 0 : i32
      %dma_start3A_348 = tpu.memref_slice %arg6[%dma_start3A_345, %dma_start3A_346, %dma_start3A_347] : memref<4x200x128xf32, #tpu.memory_space<vmem>> -> memref<1x200x128xf32, #tpu.memory_space<vmem>>
      %dma_start3A_349 = tpu.memref_squeeze %dma_start3A_348 : memref<1x200x128xf32, #tpu.memory_space<vmem>> -> memref<200x128xf32, #tpu.memory_space<vmem>>
      %dma_start3A_350 = arith.constant 0 : i32
      %dma_start3A_351 = arith.constant 0 : i32
      %dma_start3A_352 = tpu.memref_slice %dma_start3A_349[%dma_start3A_350, %dma_start3A_351] : memref<200x128xf32, #tpu.memory_space<vmem>> -> memref<200x64xf32, #tpu.memory_space<vmem>>
      %dma_start3A_353 = arith.constant 0 : i32
      %dma_start3A_354 = arith.constant 0 : i32
      %dma_start3A_355 = tpu.memref_slice %arg4[%add3A_344, %dma_start3A_353, %dma_start3A_354] : memref<4096x200x128xf32, #tpu.memory_space<hbm>> -> memref<1x200x64xf32, #tpu.memory_space<hbm>>
      %dma_start3A_356 = tpu.memref_squeeze %dma_start3A_355 : memref<1x200x64xf32, #tpu.memory_space<hbm>> -> memref<200x64xf32, #tpu.memory_space<hbm>>
      %dma_start3A_357 = arith.constant 0 : i32
      %dma_start3A_358 = arith.constant 0 : i32
      %dma_start3A_359 = tpu.memref_slice %arg4[%add3A_344, %dma_start3A_357, %dma_start3A_358] : memref<4096x200x128xf32, #tpu.memory_space<hbm>> -> memref<1x200x64xf32, #tpu.memory_space<hbm>>
      %dma_start3A_360 = tpu.memref_squeeze %dma_start3A_359 : memref<1x200x64xf32, #tpu.memory_space<hbm>> -> memref<200x64xf32, #tpu.memory_space<hbm>>
      %dma_start3A_361 = arith.constant 0 : i32
      %dma_start3A_362 = arith.constant 0 : i32
      %dma_start3A_363 = tpu.memref_slice %arg6[%dma_start3A_345, %dma_start3A_361, %dma_start3A_362] : memref<4x200x128xf32, #tpu.memory_space<vmem>> -> memref<1x200x128xf32, #tpu.memory_space<vmem>>
      %dma_start3A_364 = tpu.memref_squeeze %dma_start3A_363 : memref<1x200x128xf32, #tpu.memory_space<vmem>> -> memref<200x128xf32, #tpu.memory_space<vmem>>
      %dma_start3A_365 = arith.constant 0 : i32
      %dma_start3A_366 = arith.constant 0 : i32
      %dma_start3A_367 = tpu.memref_slice %dma_start3A_364[%dma_start3A_365, %dma_start3A_366] : memref<200x128xf32, #tpu.memory_space<vmem>> -> memref<200x64xf32, #tpu.memory_space<vmem>>
      tpu.enqueue_dma source(%dma_start3A_367 : memref<200x64xf32, #tpu.memory_space<vmem>>) target(%dma_start3A_360 : memref<200x64xf32, #tpu.memory_space<hbm>>) target_semaphore(%arg12 : memref<!tpu.dma_semaphore, #tpu.memory_space<semaphore_mem>>)
      %add3A_368 = arith.constant 2 : i32
      %add3A_369 = arith.addi %add3A_311, %add3A_368 : i32
      %ge3A_370 = arith.constant 4 : i32
      %ge3A_371 = arith.cmpi sge, %add3A_369, %ge3A_370 : i32
      %lt3A_372 = arith.constant 128 : i32
      %lt3A_373 = arith.cmpi slt, %add3A_369, %lt3A_372 : i32
      %and3A_374 = arith.andi %ge3A_371, %lt3A_373 : i1
      %convert_element_type3A_375 = arith.extui %and3A_374 : i1 to i32
      %cond3A_376 = arith.constant 0 : i32
      %cond3A_377 = arith.cmpi ne, %convert_element_type3A_375, %cond3A_376 : i32
      scf.if %cond3A_377 {
        %sub3A = arith.constant 4 : i32
        %sub3A_518 = arith.subi %add3A_369, %sub3A : i32
        %add3A_519 = arith.addi %mul3A_2, %sub3A_518 : i32
        %dma_wait3A_520 = arith.constant 3 : i32
        %dma_wait3A_521 = arith.constant 0 : i32
        %dma_wait3A_522 = arith.constant 0 : i32
        %dma_wait3A_523 = tpu.memref_slice %arg6[%dma_wait3A_520, %dma_wait3A_521, %dma_wait3A_522] : memref<4x200x128xf32, #tpu.memory_space<vmem>> -> memref<1x200x128xf32, #tpu.memory_space<vmem>>
        %dma_wait3A_524 = tpu.memref_squeeze %dma_wait3A_523 : memref<1x200x128xf32, #tpu.memory_space<vmem>> -> memref<200x128xf32, #tpu.memory_space<vmem>>
        %dma_wait3A_525 = arith.constant 0 : i32
        %dma_wait3A_526 = arith.constant 0 : i32
        %dma_wait3A_527 = tpu.memref_slice %dma_wait3A_524[%dma_wait3A_525, %dma_wait3A_526] : memref<200x128xf32, #tpu.memory_space<vmem>> -> memref<200x64xf32, #tpu.memory_space<vmem>>
        %dma_wait3A_528 = arith.constant 0 : i32
        %dma_wait3A_529 = arith.constant 0 : i32
        %dma_wait3A_530 = tpu.memref_slice %arg4[%add3A_519, %dma_wait3A_528, %dma_wait3A_529] : memref<4096x200x128xf32, #tpu.memory_space<hbm>> -> memref<1x200x64xf32, #tpu.memory_space<hbm>>
        %dma_wait3A_531 = tpu.memref_squeeze %dma_wait3A_530 : memref<1x200x64xf32, #tpu.memory_space<hbm>> -> memref<200x64xf32, #tpu.memory_space<hbm>>
        %dma_wait3A_532 = arith.constant 0 : i32
        %dma_wait3A_533 = arith.constant 0 : i32
        %dma_wait3A_534 = tpu.memref_slice %arg4[%add3A_519, %dma_wait3A_532, %dma_wait3A_533] : memref<4096x200x128xf32, #tpu.memory_space<hbm>> -> memref<1x200x64xf32, #tpu.memory_space<hbm>>
        %dma_wait3A_535 = tpu.memref_squeeze %dma_wait3A_534 : memref<1x200x64xf32, #tpu.memory_space<hbm>> -> memref<200x64xf32, #tpu.memory_space<hbm>>
        %dma_wait3A_536 = arith.constant 0 : i32
        %dma_wait3A_537 = arith.constant 0 : i32
        %dma_wait3A_538 = tpu.memref_slice %arg6[%dma_wait3A_520, %dma_wait3A_536, %dma_wait3A_537] : memref<4x200x128xf32, #tpu.memory_space<vmem>> -> memref<1x200x128xf32, #tpu.memory_space<vmem>>
        %dma_wait3A_539 = tpu.memref_squeeze %dma_wait3A_538 : memref<1x200x128xf32, #tpu.memory_space<vmem>> -> memref<200x128xf32, #tpu.memory_space<vmem>>
        %dma_wait3A_540 = arith.constant 0 : i32
        %dma_wait3A_541 = arith.constant 0 : i32
        %dma_wait3A_542 = tpu.memref_slice %dma_wait3A_539[%dma_wait3A_540, %dma_wait3A_541] : memref<200x128xf32, #tpu.memory_space<vmem>> -> memref<200x64xf32, #tpu.memory_space<vmem>>
        tpu.wait_dma2 semaphore(%arg14 : memref<!tpu.dma_semaphore, #tpu.memory_space<semaphore_mem>>) src(%dma_wait3A_542 : memref<200x64xf32, #tpu.memory_space<vmem>>) dst(%dma_wait3A_535 : memref<200x64xf32, #tpu.memory_space<hbm>>)
        %dma_start3A_543 = arith.constant 3 : i32
        %dma_start3A_544 = arith.constant 0 : i32
        %dma_start3A_545 = arith.constant 0 : i32
        %dma_start3A_546 = tpu.memref_slice %arg6[%dma_start3A_543, %dma_start3A_544, %dma_start3A_545] : memref<4x200x128xf32, #tpu.memory_space<vmem>> -> memref<1x200x128xf32, #tpu.memory_space<vmem>>
        %dma_start3A_547 = tpu.memref_squeeze %dma_start3A_546 : memref<1x200x128xf32, #tpu.memory_space<vmem>> -> memref<200x128xf32, #tpu.memory_space<vmem>>
        %dma_start3A_548 = arith.constant 0 : i32
        %dma_start3A_549 = arith.constant 0 : i32
        %dma_start3A_550 = tpu.memref_slice %dma_start3A_547[%dma_start3A_548, %dma_start3A_549] : memref<200x128xf32, #tpu.memory_space<vmem>> -> memref<128x128xf32, #tpu.memory_space<vmem>>
        %dma_start3A_551 = arith.constant 0 : i32
        %dma_start3A_552 = tpu.memref_slice %arg5[%add3A_369, %dma_start3A_551] : memref<128x200xi32, #tpu.memory_space<vmem>> -> memref<1x200xi32, #tpu.memory_space<vmem>>
        %dma_start3A_553 = tpu.memref_squeeze %dma_start3A_552 : memref<1x200xi32, #tpu.memory_space<vmem>> -> memref<200xi32, #tpu.memory_space<vmem>>
        %dma_start3A_554 = arith.constant 0 : i32
        %dma_start3A_555 = tpu.memref_slice %dma_start3A_553[%dma_start3A_554] : memref<200xi32, #tpu.memory_space<vmem>> -> memref<128xi32, #tpu.memory_space<vmem>>
        %dma_start3A_556 = arith.constant 0 : i32
        %dma_start3A_557 = arith.constant 0 : i32
        %dma_start3A_558 = tpu.memref_slice %arg3[%dma_start3A_556, %dma_start3A_557] : memref<1000000x128xf32, #tpu.memory_space<hbm>> -> memref<1000000x128xf32, #tpu.memory_space<hbm>>
        tpu.enqueue_indirect_dma source(%dma_start3A_558 : memref<1000000x128xf32, #tpu.memory_space<hbm>>) target(%dma_start3A_550 : memref<128x128xf32, #tpu.memory_space<vmem>>) offsets(%dma_start3A_555 : memref<128xi32, #tpu.memory_space<vmem>>) semaphore(%arg10 : memref<!tpu.dma_semaphore, #tpu.memory_space<semaphore_mem>>)
        %dma_start3A_559 = arith.constant 3 : i32
        %dma_start3A_560 = arith.constant 0 : i32
        %dma_start3A_561 = arith.constant 0 : i32
        %dma_start3A_562 = tpu.memref_slice %arg6[%dma_start3A_559, %dma_start3A_560, %dma_start3A_561] : memref<4x200x128xf32, #tpu.memory_space<vmem>> -> memref<1x200x128xf32, #tpu.memory_space<vmem>>
        %dma_start3A_563 = tpu.memref_squeeze %dma_start3A_562 : memref<1x200x128xf32, #tpu.memory_space<vmem>> -> memref<200x128xf32, #tpu.memory_space<vmem>>
        %dma_start3A_564 = arith.constant 128 : i32
        %dma_start3A_565 = arith.constant 0 : i32
        %dma_start3A_566 = tpu.memref_slice %dma_start3A_563[%dma_start3A_564, %dma_start3A_565] : memref<200x128xf32, #tpu.memory_space<vmem>> -> memref<72x128xf32, #tpu.memory_space<vmem>>
        %dma_start3A_567 = arith.constant 0 : i32
        %dma_start3A_568 = tpu.memref_slice %arg5[%add3A_369, %dma_start3A_567] : memref<128x200xi32, #tpu.memory_space<vmem>> -> memref<1x200xi32, #tpu.memory_space<vmem>>
        %dma_start3A_569 = tpu.memref_squeeze %dma_start3A_568 : memref<1x200xi32, #tpu.memory_space<vmem>> -> memref<200xi32, #tpu.memory_space<vmem>>
        %dma_start3A_570 = arith.constant 128 : i32
        %dma_start3A_571 = tpu.memref_slice %dma_start3A_569[%dma_start3A_570] : memref<200xi32, #tpu.memory_space<vmem>> -> memref<72xi32, #tpu.memory_space<vmem>>
        %dma_start3A_572 = arith.constant 0 : i32
        %dma_start3A_573 = arith.constant 0 : i32
        %dma_start3A_574 = tpu.memref_slice %arg3[%dma_start3A_572, %dma_start3A_573] : memref<1000000x128xf32, #tpu.memory_space<hbm>> -> memref<1000000x128xf32, #tpu.memory_space<hbm>>
        tpu.enqueue_indirect_dma source(%dma_start3A_574 : memref<1000000x128xf32, #tpu.memory_space<hbm>>) target(%dma_start3A_566 : memref<72x128xf32, #tpu.memory_space<vmem>>) offsets(%dma_start3A_571 : memref<72xi32, #tpu.memory_space<vmem>>) semaphore(%arg10 : memref<!tpu.dma_semaphore, #tpu.memory_space<semaphore_mem>>)
      } else {
      }
      %mul3A_378 = arith.constant 4 : i32
      %mul3A_379 = arith.muli %scan3A_242, %mul3A_378 : i32
      %add3A_380 = arith.constant 2 : i32
      %add3A_381 = arith.addi %mul3A_379, %add3A_380 : i32
      %dma_wait3A_382 = arith.constant 2 : i32
      %dma_wait3A_383 = arith.constant 0 : i32
      %dma_wait3A_384 = arith.constant 0 : i32
      %dma_wait3A_385 = tpu.memref_slice %arg6[%dma_wait3A_382, %dma_wait3A_383, %dma_wait3A_384] : memref<4x200x128xf32, #tpu.memory_space<vmem>> -> memref<1x200x128xf32, #tpu.memory_space<vmem>>
      %dma_wait3A_386 = tpu.memref_squeeze %dma_wait3A_385 : memref<1x200x128xf32, #tpu.memory_space<vmem>> -> memref<200x128xf32, #tpu.memory_space<vmem>>
      %dma_wait3A_387 = arith.constant 0 : i32
      %dma_wait3A_388 = arith.constant 0 : i32
      %dma_wait3A_389 = tpu.memref_slice %dma_wait3A_386[%dma_wait3A_387, %dma_wait3A_388] : memref<200x128xf32, #tpu.memory_space<vmem>> -> memref<128x128xf32, #tpu.memory_space<vmem>>
      %dma_wait3A_390 = arith.constant 0 : i32
      %dma_wait3A_391 = tpu.memref_slice %arg5[%add3A_381, %dma_wait3A_390] : memref<128x200xi32, #tpu.memory_space<vmem>> -> memref<1x200xi32, #tpu.memory_space<vmem>>
      %dma_wait3A_392 = tpu.memref_squeeze %dma_wait3A_391 : memref<1x200xi32, #tpu.memory_space<vmem>> -> memref<200xi32, #tpu.memory_space<vmem>>
      %dma_wait3A_393 = arith.constant 0 : i32
      %dma_wait3A_394 = tpu.memref_slice %dma_wait3A_392[%dma_wait3A_393] : memref<200xi32, #tpu.memory_space<vmem>> -> memref<128xi32, #tpu.memory_space<vmem>>
      %dma_wait3A_395 = arith.constant 0 : i32
      %dma_wait3A_396 = arith.constant 0 : i32
      %dma_wait3A_397 = tpu.memref_slice %arg3[%dma_wait3A_395, %dma_wait3A_396] : memref<1000000x128xf32, #tpu.memory_space<hbm>> -> memref<1000000x128xf32, #tpu.memory_space<hbm>>
      tpu.wait_indirect_dma semaphore(%arg9 : memref<!tpu.dma_semaphore, #tpu.memory_space<semaphore_mem>>) src(%dma_wait3A_397 : memref<1000000x128xf32, #tpu.memory_space<hbm>>) dst(%dma_wait3A_389 : memref<128x128xf32, #tpu.memory_space<vmem>>)
      %dma_wait3A_398 = arith.constant 2 : i32
      %dma_wait3A_399 = arith.constant 0 : i32
      %dma_wait3A_400 = arith.constant 0 : i32
      %dma_wait3A_401 = tpu.memref_slice %arg6[%dma_wait3A_398, %dma_wait3A_399, %dma_wait3A_400] : memref<4x200x128xf32, #tpu.memory_space<vmem>> -> memref<1x200x128xf32, #tpu.memory_space<vmem>>
      %dma_wait3A_402 = tpu.memref_squeeze %dma_wait3A_401 : memref<1x200x128xf32, #tpu.memory_space<vmem>> -> memref<200x128xf32, #tpu.memory_space<vmem>>
      %dma_wait3A_403 = arith.constant 128 : i32
      %dma_wait3A_404 = arith.constant 0 : i32
      %dma_wait3A_405 = tpu.memref_slice %dma_wait3A_402[%dma_wait3A_403, %dma_wait3A_404] : memref<200x128xf32, #tpu.memory_space<vmem>> -> memref<72x128xf32, #tpu.memory_space<vmem>>
      %dma_wait3A_406 = arith.constant 0 : i32
      %dma_wait3A_407 = tpu.memref_slice %arg5[%add3A_381, %dma_wait3A_406] : memref<128x200xi32, #tpu.memory_space<vmem>> -> memref<1x200xi32, #tpu.memory_space<vmem>>
      %dma_wait3A_408 = tpu.memref_squeeze %dma_wait3A_407 : memref<1x200xi32, #tpu.memory_space<vmem>> -> memref<200xi32, #tpu.memory_space<vmem>>
      %dma_wait3A_409 = arith.constant 128 : i32
      %dma_wait3A_410 = tpu.memref_slice %dma_wait3A_408[%dma_wait3A_409] : memref<200xi32, #tpu.memory_space<vmem>> -> memref<72xi32, #tpu.memory_space<vmem>>
      %dma_wait3A_411 = arith.constant 0 : i32
      %dma_wait3A_412 = arith.constant 0 : i32
      %dma_wait3A_413 = tpu.memref_slice %arg3[%dma_wait3A_411, %dma_wait3A_412] : memref<1000000x128xf32, #tpu.memory_space<hbm>> -> memref<1000000x128xf32, #tpu.memory_space<hbm>>
      tpu.wait_indirect_dma semaphore(%arg9 : memref<!tpu.dma_semaphore, #tpu.memory_space<semaphore_mem>>) src(%dma_wait3A_413 : memref<1000000x128xf32, #tpu.memory_space<hbm>>) dst(%dma_wait3A_405 : memref<72x128xf32, #tpu.memory_space<vmem>>)
      %add3A_414 = arith.addi %mul3A_2, %add3A_381 : i32
      %dma_start3A_415 = arith.constant 2 : i32
      %dma_start3A_416 = arith.constant 0 : i32
      %dma_start3A_417 = arith.constant 0 : i32
      %dma_start3A_418 = tpu.memref_slice %arg6[%dma_start3A_415, %dma_start3A_416, %dma_start3A_417] : memref<4x200x128xf32, #tpu.memory_space<vmem>> -> memref<1x200x128xf32, #tpu.memory_space<vmem>>
      %dma_start3A_419 = tpu.memref_squeeze %dma_start3A_418 : memref<1x200x128xf32, #tpu.memory_space<vmem>> -> memref<200x128xf32, #tpu.memory_space<vmem>>
      %dma_start3A_420 = arith.constant 0 : i32
      %dma_start3A_421 = arith.constant 0 : i32
      %dma_start3A_422 = tpu.memref_slice %dma_start3A_419[%dma_start3A_420, %dma_start3A_421] : memref<200x128xf32, #tpu.memory_space<vmem>> -> memref<200x64xf32, #tpu.memory_space<vmem>>
      %dma_start3A_423 = arith.constant 0 : i32
      %dma_start3A_424 = arith.constant 0 : i32
      %dma_start3A_425 = tpu.memref_slice %arg4[%add3A_414, %dma_start3A_423, %dma_start3A_424] : memref<4096x200x128xf32, #tpu.memory_space<hbm>> -> memref<1x200x64xf32, #tpu.memory_space<hbm>>
      %dma_start3A_426 = tpu.memref_squeeze %dma_start3A_425 : memref<1x200x64xf32, #tpu.memory_space<hbm>> -> memref<200x64xf32, #tpu.memory_space<hbm>>
      %dma_start3A_427 = arith.constant 0 : i32
      %dma_start3A_428 = arith.constant 0 : i32
      %dma_start3A_429 = tpu.memref_slice %arg4[%add3A_414, %dma_start3A_427, %dma_start3A_428] : memref<4096x200x128xf32, #tpu.memory_space<hbm>> -> memref<1x200x64xf32, #tpu.memory_space<hbm>>
      %dma_start3A_430 = tpu.memref_squeeze %dma_start3A_429 : memref<1x200x64xf32, #tpu.memory_space<hbm>> -> memref<200x64xf32, #tpu.memory_space<hbm>>
      %dma_start3A_431 = arith.constant 0 : i32
      %dma_start3A_432 = arith.constant 0 : i32
      %dma_start3A_433 = tpu.memref_slice %arg6[%dma_start3A_415, %dma_start3A_431, %dma_start3A_432] : memref<4x200x128xf32, #tpu.memory_space<vmem>> -> memref<1x200x128xf32, #tpu.memory_space<vmem>>
      %dma_start3A_434 = tpu.memref_squeeze %dma_start3A_433 : memref<1x200x128xf32, #tpu.memory_space<vmem>> -> memref<200x128xf32, #tpu.memory_space<vmem>>
      %dma_start3A_435 = arith.constant 0 : i32
      %dma_start3A_436 = arith.constant 0 : i32
      %dma_start3A_437 = tpu.memref_slice %dma_start3A_434[%dma_start3A_435, %dma_start3A_436] : memref<200x128xf32, #tpu.memory_space<vmem>> -> memref<200x64xf32, #tpu.memory_space<vmem>>
      tpu.enqueue_dma source(%dma_start3A_437 : memref<200x64xf32, #tpu.memory_space<vmem>>) target(%dma_start3A_430 : memref<200x64xf32, #tpu.memory_space<hbm>>) target_semaphore(%arg13 : memref<!tpu.dma_semaphore, #tpu.memory_space<semaphore_mem>>)
      %add3A_438 = arith.constant 2 : i32
      %add3A_439 = arith.addi %add3A_381, %add3A_438 : i32
      %ge3A_440 = arith.constant 4 : i32
      %ge3A_441 = arith.cmpi sge, %add3A_439, %ge3A_440 : i32
      %lt3A_442 = arith.constant 128 : i32
      %lt3A_443 = arith.cmpi slt, %add3A_439, %lt3A_442 : i32
      %and3A_444 = arith.andi %ge3A_441, %lt3A_443 : i1
      %convert_element_type3A_445 = arith.extui %and3A_444 : i1 to i32
      %cond3A_446 = arith.constant 0 : i32
      %cond3A_447 = arith.cmpi ne, %convert_element_type3A_445, %cond3A_446 : i32
      scf.if %cond3A_447 {
        %sub3A = arith.constant 4 : i32
        %sub3A_518 = arith.subi %add3A_439, %sub3A : i32
        %add3A_519 = arith.addi %mul3A_2, %sub3A_518 : i32
        %dma_wait3A_520 = arith.constant 0 : i32
        %dma_wait3A_521 = arith.constant 0 : i32
        %dma_wait3A_522 = arith.constant 0 : i32
        %dma_wait3A_523 = tpu.memref_slice %arg6[%dma_wait3A_520, %dma_wait3A_521, %dma_wait3A_522] : memref<4x200x128xf32, #tpu.memory_space<vmem>> -> memref<1x200x128xf32, #tpu.memory_space<vmem>>
        %dma_wait3A_524 = tpu.memref_squeeze %dma_wait3A_523 : memref<1x200x128xf32, #tpu.memory_space<vmem>> -> memref<200x128xf32, #tpu.memory_space<vmem>>
        %dma_wait3A_525 = arith.constant 0 : i32
        %dma_wait3A_526 = arith.constant 0 : i32
        %dma_wait3A_527 = tpu.memref_slice %dma_wait3A_524[%dma_wait3A_525, %dma_wait3A_526] : memref<200x128xf32, #tpu.memory_space<vmem>> -> memref<200x64xf32, #tpu.memory_space<vmem>>
        %dma_wait3A_528 = arith.constant 0 : i32
        %dma_wait3A_529 = arith.constant 0 : i32
        %dma_wait3A_530 = tpu.memref_slice %arg4[%add3A_519, %dma_wait3A_528, %dma_wait3A_529] : memref<4096x200x128xf32, #tpu.memory_space<hbm>> -> memref<1x200x64xf32, #tpu.memory_space<hbm>>
        %dma_wait3A_531 = tpu.memref_squeeze %dma_wait3A_530 : memref<1x200x64xf32, #tpu.memory_space<hbm>> -> memref<200x64xf32, #tpu.memory_space<hbm>>
        %dma_wait3A_532 = arith.constant 0 : i32
        %dma_wait3A_533 = arith.constant 0 : i32
        %dma_wait3A_534 = tpu.memref_slice %arg4[%add3A_519, %dma_wait3A_532, %dma_wait3A_533] : memref<4096x200x128xf32, #tpu.memory_space<hbm>> -> memref<1x200x64xf32, #tpu.memory_space<hbm>>
        %dma_wait3A_535 = tpu.memref_squeeze %dma_wait3A_534 : memref<1x200x64xf32, #tpu.memory_space<hbm>> -> memref<200x64xf32, #tpu.memory_space<hbm>>
        %dma_wait3A_536 = arith.constant 0 : i32
        %dma_wait3A_537 = arith.constant 0 : i32
        %dma_wait3A_538 = tpu.memref_slice %arg6[%dma_wait3A_520, %dma_wait3A_536, %dma_wait3A_537] : memref<4x200x128xf32, #tpu.memory_space<vmem>> -> memref<1x200x128xf32, #tpu.memory_space<vmem>>
        %dma_wait3A_539 = tpu.memref_squeeze %dma_wait3A_538 : memref<1x200x128xf32, #tpu.memory_space<vmem>> -> memref<200x128xf32, #tpu.memory_space<vmem>>
        %dma_wait3A_540 = arith.constant 0 : i32
        %dma_wait3A_541 = arith.constant 0 : i32
        %dma_wait3A_542 = tpu.memref_slice %dma_wait3A_539[%dma_wait3A_540, %dma_wait3A_541] : memref<200x128xf32, #tpu.memory_space<vmem>> -> memref<200x64xf32, #tpu.memory_space<vmem>>
        tpu.wait_dma2 semaphore(%arg11 : memref<!tpu.dma_semaphore, #tpu.memory_space<semaphore_mem>>) src(%dma_wait3A_542 : memref<200x64xf32, #tpu.memory_space<vmem>>) dst(%dma_wait3A_535 : memref<200x64xf32, #tpu.memory_space<hbm>>)
        %dma_start3A_543 = arith.constant 0 : i32
        %dma_start3A_544 = arith.constant 0 : i32
        %dma_start3A_545 = arith.constant 0 : i32
        %dma_start3A_546 = tpu.memref_slice %arg6[%dma_start3A_543, %dma_start3A_544, %dma_start3A_545] : memref<4x200x128xf32, #tpu.memory_space<vmem>> -> memref<1x200x128xf32, #tpu.memory_space<vmem>>
        %dma_start3A_547 = tpu.memref_squeeze %dma_start3A_546 : memref<1x200x128xf32, #tpu.memory_space<vmem>> -> memref<200x128xf32, #tpu.memory_space<vmem>>
        %dma_start3A_548 = arith.constant 0 : i32
        %dma_start3A_549 = arith.constant 0 : i32
        %dma_start3A_550 = tpu.memref_slice %dma_start3A_547[%dma_start3A_548, %dma_start3A_549] : memref<200x128xf32, #tpu.memory_space<vmem>> -> memref<128x128xf32, #tpu.memory_space<vmem>>
        %dma_start3A_551 = arith.constant 0 : i32
        %dma_start3A_552 = tpu.memref_slice %arg5[%add3A_439, %dma_start3A_551] : memref<128x200xi32, #tpu.memory_space<vmem>> -> memref<1x200xi32, #tpu.memory_space<vmem>>
        %dma_start3A_553 = tpu.memref_squeeze %dma_start3A_552 : memref<1x200xi32, #tpu.memory_space<vmem>> -> memref<200xi32, #tpu.memory_space<vmem>>
        %dma_start3A_554 = arith.constant 0 : i32
        %dma_start3A_555 = tpu.memref_slice %dma_start3A_553[%dma_start3A_554] : memref<200xi32, #tpu.memory_space<vmem>> -> memref<128xi32, #tpu.memory_space<vmem>>
        %dma_start3A_556 = arith.constant 0 : i32
        %dma_start3A_557 = arith.constant 0 : i32
        %dma_start3A_558 = tpu.memref_slice %arg3[%dma_start3A_556, %dma_start3A_557] : memref<1000000x128xf32, #tpu.memory_space<hbm>> -> memref<1000000x128xf32, #tpu.memory_space<hbm>>
        tpu.enqueue_indirect_dma source(%dma_start3A_558 : memref<1000000x128xf32, #tpu.memory_space<hbm>>) target(%dma_start3A_550 : memref<128x128xf32, #tpu.memory_space<vmem>>) offsets(%dma_start3A_555 : memref<128xi32, #tpu.memory_space<vmem>>) semaphore(%arg7 : memref<!tpu.dma_semaphore, #tpu.memory_space<semaphore_mem>>)
        %dma_start3A_559 = arith.constant 0 : i32
        %dma_start3A_560 = arith.constant 0 : i32
        %dma_start3A_561 = arith.constant 0 : i32
        %dma_start3A_562 = tpu.memref_slice %arg6[%dma_start3A_559, %dma_start3A_560, %dma_start3A_561] : memref<4x200x128xf32, #tpu.memory_space<vmem>> -> memref<1x200x128xf32, #tpu.memory_space<vmem>>
        %dma_start3A_563 = tpu.memref_squeeze %dma_start3A_562 : memref<1x200x128xf32, #tpu.memory_space<vmem>> -> memref<200x128xf32, #tpu.memory_space<vmem>>
        %dma_start3A_564 = arith.constant 128 : i32
        %dma_start3A_565 = arith.constant 0 : i32
        %dma_start3A_566 = tpu.memref_slice %dma_start3A_563[%dma_start3A_564, %dma_start3A_565] : memref<200x128xf32, #tpu.memory_space<vmem>> -> memref<72x128xf32, #tpu.memory_space<vmem>>
        %dma_start3A_567 = arith.constant 0 : i32
        %dma_start3A_568 = tpu.memref_slice %arg5[%add3A_439, %dma_start3A_567] : memref<128x200xi32, #tpu.memory_space<vmem>> -> memref<1x200xi32, #tpu.memory_space<vmem>>
        %dma_start3A_569 = tpu.memref_squeeze %dma_start3A_568 : memref<1x200xi32, #tpu.memory_space<vmem>> -> memref<200xi32, #tpu.memory_space<vmem>>
        %dma_start3A_570 = arith.constant 128 : i32
        %dma_start3A_571 = tpu.memref_slice %dma_start3A_569[%dma_start3A_570] : memref<200xi32, #tpu.memory_space<vmem>> -> memref<72xi32, #tpu.memory_space<vmem>>
        %dma_start3A_572 = arith.constant 0 : i32
        %dma_start3A_573 = arith.constant 0 : i32
        %dma_start3A_574 = tpu.memref_slice %arg3[%dma_start3A_572, %dma_start3A_573] : memref<1000000x128xf32, #tpu.memory_space<hbm>> -> memref<1000000x128xf32, #tpu.memory_space<hbm>>
        tpu.enqueue_indirect_dma source(%dma_start3A_574 : memref<1000000x128xf32, #tpu.memory_space<hbm>>) target(%dma_start3A_566 : memref<72x128xf32, #tpu.memory_space<vmem>>) offsets(%dma_start3A_571 : memref<72xi32, #tpu.memory_space<vmem>>) semaphore(%arg7 : memref<!tpu.dma_semaphore, #tpu.memory_space<semaphore_mem>>)
      } else {
      }
      %mul3A_448 = arith.constant 4 : i32
      %mul3A_449 = arith.muli %scan3A_242, %mul3A_448 : i32
      %add3A_450 = arith.constant 3 : i32
      %add3A_451 = arith.addi %mul3A_449, %add3A_450 : i32
      %dma_wait3A_452 = arith.constant 3 : i32
      %dma_wait3A_453 = arith.constant 0 : i32
      %dma_wait3A_454 = arith.constant 0 : i32
      %dma_wait3A_455 = tpu.memref_slice %arg6[%dma_wait3A_452, %dma_wait3A_453, %dma_wait3A_454] : memref<4x200x128xf32, #tpu.memory_space<vmem>> -> memref<1x200x128xf32, #tpu.memory_space<vmem>>
      %dma_wait3A_456 = tpu.memref_squeeze %dma_wait3A_455 : memref<1x200x128xf32, #tpu.memory_space<vmem>> -> memref<200x128xf32, #tpu.memory_space<vmem>>
      %dma_wait3A_457 = arith.constant 0 : i32
      %dma_wait3A_458 = arith.constant 0 : i32
      %dma_wait3A_459 = tpu.memref_slice %dma_wait3A_456[%dma_wait3A_457, %dma_wait3A_458] : memref<200x128xf32, #tpu.memory_space<vmem>> -> memref<128x128xf32, #tpu.memory_space<vmem>>
      %dma_wait3A_460 = arith.constant 0 : i32
      %dma_wait3A_461 = tpu.memref_slice %arg5[%add3A_451, %dma_wait3A_460] : memref<128x200xi32, #tpu.memory_space<vmem>> -> memref<1x200xi32, #tpu.memory_space<vmem>>
      %dma_wait3A_462 = tpu.memref_squeeze %dma_wait3A_461 : memref<1x200xi32, #tpu.memory_space<vmem>> -> memref<200xi32, #tpu.memory_space<vmem>>
      %dma_wait3A_463 = arith.constant 0 : i32
      %dma_wait3A_464 = tpu.memref_slice %dma_wait3A_462[%dma_wait3A_463] : memref<200xi32, #tpu.memory_space<vmem>> -> memref<128xi32, #tpu.memory_space<vmem>>
      %dma_wait3A_465 = arith.constant 0 : i32
      %dma_wait3A_466 = arith.constant 0 : i32
      %dma_wait3A_467 = tpu.memref_slice %arg3[%dma_wait3A_465, %dma_wait3A_466] : memref<1000000x128xf32, #tpu.memory_space<hbm>> -> memref<1000000x128xf32, #tpu.memory_space<hbm>>
      tpu.wait_indirect_dma semaphore(%arg10 : memref<!tpu.dma_semaphore, #tpu.memory_space<semaphore_mem>>) src(%dma_wait3A_467 : memref<1000000x128xf32, #tpu.memory_space<hbm>>) dst(%dma_wait3A_459 : memref<128x128xf32, #tpu.memory_space<vmem>>)
      %dma_wait3A_468 = arith.constant 3 : i32
      %dma_wait3A_469 = arith.constant 0 : i32
      %dma_wait3A_470 = arith.constant 0 : i32
      %dma_wait3A_471 = tpu.memref_slice %arg6[%dma_wait3A_468, %dma_wait3A_469, %dma_wait3A_470] : memref<4x200x128xf32, #tpu.memory_space<vmem>> -> memref<1x200x128xf32, #tpu.memory_space<vmem>>
      %dma_wait3A_472 = tpu.memref_squeeze %dma_wait3A_471 : memref<1x200x128xf32, #tpu.memory_space<vmem>> -> memref<200x128xf32, #tpu.memory_space<vmem>>
      %dma_wait3A_473 = arith.constant 128 : i32
      %dma_wait3A_474 = arith.constant 0 : i32
      %dma_wait3A_475 = tpu.memref_slice %dma_wait3A_472[%dma_wait3A_473, %dma_wait3A_474] : memref<200x128xf32, #tpu.memory_space<vmem>> -> memref<72x128xf32, #tpu.memory_space<vmem>>
      %dma_wait3A_476 = arith.constant 0 : i32
      %dma_wait3A_477 = tpu.memref_slice %arg5[%add3A_451, %dma_wait3A_476] : memref<128x200xi32, #tpu.memory_space<vmem>> -> memref<1x200xi32, #tpu.memory_space<vmem>>
      %dma_wait3A_478 = tpu.memref_squeeze %dma_wait3A_477 : memref<1x200xi32, #tpu.memory_space<vmem>> -> memref<200xi32, #tpu.memory_space<vmem>>
      %dma_wait3A_479 = arith.constant 128 : i32
      %dma_wait3A_480 = tpu.memref_slice %dma_wait3A_478[%dma_wait3A_479] : memref<200xi32, #tpu.memory_space<vmem>> -> memref<72xi32, #tpu.memory_space<vmem>>
      %dma_wait3A_481 = arith.constant 0 : i32
      %dma_wait3A_482 = arith.constant 0 : i32
      %dma_wait3A_483 = tpu.memref_slice %arg3[%dma_wait3A_481, %dma_wait3A_482] : memref<1000000x128xf32, #tpu.memory_space<hbm>> -> memref<1000000x128xf32, #tpu.memory_space<hbm>>
      tpu.wait_indirect_dma semaphore(%arg10 : memref<!tpu.dma_semaphore, #tpu.memory_space<semaphore_mem>>) src(%dma_wait3A_483 : memref<1000000x128xf32, #tpu.memory_space<hbm>>) dst(%dma_wait3A_475 : memref<72x128xf32, #tpu.memory_space<vmem>>)
      %add3A_484 = arith.addi %mul3A_2, %add3A_451 : i32
      %dma_start3A_485 = arith.constant 3 : i32
      %dma_start3A_486 = arith.constant 0 : i32
      %dma_start3A_487 = arith.constant 0 : i32
      %dma_start3A_488 = tpu.memref_slice %arg6[%dma_start3A_485, %dma_start3A_486, %dma_start3A_487] : memref<4x200x128xf32, #tpu.memory_space<vmem>> -> memref<1x200x128xf32, #tpu.memory_space<vmem>>
      %dma_start3A_489 = tpu.memref_squeeze %dma_start3A_488 : memref<1x200x128xf32, #tpu.memory_space<vmem>> -> memref<200x128xf32, #tpu.memory_space<vmem>>
      %dma_start3A_490 = arith.constant 0 : i32
      %dma_start3A_491 = arith.constant 0 : i32
      %dma_start3A_492 = tpu.memref_slice %dma_start3A_489[%dma_start3A_490, %dma_start3A_491] : memref<200x128xf32, #tpu.memory_space<vmem>> -> memref<200x64xf32, #tpu.memory_space<vmem>>
      %dma_start3A_493 = arith.constant 0 : i32
      %dma_start3A_494 = arith.constant 0 : i32
      %dma_start3A_495 = tpu.memref_slice %arg4[%add3A_484, %dma_start3A_493, %dma_start3A_494] : memref<4096x200x128xf32, #tpu.memory_space<hbm>> -> memref<1x200x64xf32, #tpu.memory_space<hbm>>
      %dma_start3A_496 = tpu.memref_squeeze %dma_start3A_495 : memref<1x200x64xf32, #tpu.memory_space<hbm>> -> memref<200x64xf32, #tpu.memory_space<hbm>>
      %dma_start3A_497 = arith.constant 0 : i32
      %dma_start3A_498 = arith.constant 0 : i32
      %dma_start3A_499 = tpu.memref_slice %arg4[%add3A_484, %dma_start3A_497, %dma_start3A_498] : memref<4096x200x128xf32, #tpu.memory_space<hbm>> -> memref<1x200x64xf32, #tpu.memory_space<hbm>>
      %dma_start3A_500 = tpu.memref_squeeze %dma_start3A_499 : memref<1x200x64xf32, #tpu.memory_space<hbm>> -> memref<200x64xf32, #tpu.memory_space<hbm>>
      %dma_start3A_501 = arith.constant 0 : i32
      %dma_start3A_502 = arith.constant 0 : i32
      %dma_start3A_503 = tpu.memref_slice %arg6[%dma_start3A_485, %dma_start3A_501, %dma_start3A_502] : memref<4x200x128xf32, #tpu.memory_space<vmem>> -> memref<1x200x128xf32, #tpu.memory_space<vmem>>
      %dma_start3A_504 = tpu.memref_squeeze %dma_start3A_503 : memref<1x200x128xf32, #tpu.memory_space<vmem>> -> memref<200x128xf32, #tpu.memory_space<vmem>>
      %dma_start3A_505 = arith.constant 0 : i32
      %dma_start3A_506 = arith.constant 0 : i32
      %dma_start3A_507 = tpu.memref_slice %dma_start3A_504[%dma_start3A_505, %dma_start3A_506] : memref<200x128xf32, #tpu.memory_space<vmem>> -> memref<200x64xf32, #tpu.memory_space<vmem>>
      tpu.enqueue_dma source(%dma_start3A_507 : memref<200x64xf32, #tpu.memory_space<vmem>>) target(%dma_start3A_500 : memref<200x64xf32, #tpu.memory_space<hbm>>) target_semaphore(%arg14 : memref<!tpu.dma_semaphore, #tpu.memory_space<semaphore_mem>>)
      %add3A_508 = arith.constant 2 : i32
      %add3A_509 = arith.addi %add3A_451, %add3A_508 : i32
      %ge3A_510 = arith.constant 4 : i32
      %ge3A_511 = arith.cmpi sge, %add3A_509, %ge3A_510 : i32
      %lt3A_512 = arith.constant 128 : i32
      %lt3A_513 = arith.cmpi slt, %add3A_509, %lt3A_512 : i32
      %and3A_514 = arith.andi %ge3A_511, %lt3A_513 : i1
      %convert_element_type3A_515 = arith.extui %and3A_514 : i1 to i32
      %cond3A_516 = arith.constant 0 : i32
      %cond3A_517 = arith.cmpi ne, %convert_element_type3A_515, %cond3A_516 : i32
      scf.if %cond3A_517 {
        %sub3A = arith.constant 4 : i32
        %sub3A_518 = arith.subi %add3A_509, %sub3A : i32
        %add3A_519 = arith.addi %mul3A_2, %sub3A_518 : i32
        %dma_wait3A_520 = arith.constant 1 : i32
        %dma_wait3A_521 = arith.constant 0 : i32
        %dma_wait3A_522 = arith.constant 0 : i32
        %dma_wait3A_523 = tpu.memref_slice %arg6[%dma_wait3A_520, %dma_wait3A_521, %dma_wait3A_522] : memref<4x200x128xf32, #tpu.memory_space<vmem>> -> memref<1x200x128xf32, #tpu.memory_space<vmem>>
        %dma_wait3A_524 = tpu.memref_squeeze %dma_wait3A_523 : memref<1x200x128xf32, #tpu.memory_space<vmem>> -> memref<200x128xf32, #tpu.memory_space<vmem>>
        %dma_wait3A_525 = arith.constant 0 : i32
        %dma_wait3A_526 = arith.constant 0 : i32
        %dma_wait3A_527 = tpu.memref_slice %dma_wait3A_524[%dma_wait3A_525, %dma_wait3A_526] : memref<200x128xf32, #tpu.memory_space<vmem>> -> memref<200x64xf32, #tpu.memory_space<vmem>>
        %dma_wait3A_528 = arith.constant 0 : i32
        %dma_wait3A_529 = arith.constant 0 : i32
        %dma_wait3A_530 = tpu.memref_slice %arg4[%add3A_519, %dma_wait3A_528, %dma_wait3A_529] : memref<4096x200x128xf32, #tpu.memory_space<hbm>> -> memref<1x200x64xf32, #tpu.memory_space<hbm>>
        %dma_wait3A_531 = tpu.memref_squeeze %dma_wait3A_530 : memref<1x200x64xf32, #tpu.memory_space<hbm>> -> memref<200x64xf32, #tpu.memory_space<hbm>>
        %dma_wait3A_532 = arith.constant 0 : i32
        %dma_wait3A_533 = arith.constant 0 : i32
        %dma_wait3A_534 = tpu.memref_slice %arg4[%add3A_519, %dma_wait3A_532, %dma_wait3A_533] : memref<4096x200x128xf32, #tpu.memory_space<hbm>> -> memref<1x200x64xf32, #tpu.memory_space<hbm>>
        %dma_wait3A_535 = tpu.memref_squeeze %dma_wait3A_534 : memref<1x200x64xf32, #tpu.memory_space<hbm>> -> memref<200x64xf32, #tpu.memory_space<hbm>>
        %dma_wait3A_536 = arith.constant 0 : i32
        %dma_wait3A_537 = arith.constant 0 : i32
        %dma_wait3A_538 = tpu.memref_slice %arg6[%dma_wait3A_520, %dma_wait3A_536, %dma_wait3A_537] : memref<4x200x128xf32, #tpu.memory_space<vmem>> -> memref<1x200x128xf32, #tpu.memory_space<vmem>>
        %dma_wait3A_539 = tpu.memref_squeeze %dma_wait3A_538 : memref<1x200x128xf32, #tpu.memory_space<vmem>> -> memref<200x128xf32, #tpu.memory_space<vmem>>
        %dma_wait3A_540 = arith.constant 0 : i32
        %dma_wait3A_541 = arith.constant 0 : i32
        %dma_wait3A_542 = tpu.memref_slice %dma_wait3A_539[%dma_wait3A_540, %dma_wait3A_541] : memref<200x128xf32, #tpu.memory_space<vmem>> -> memref<200x64xf32, #tpu.memory_space<vmem>>
        tpu.wait_dma2 semaphore(%arg12 : memref<!tpu.dma_semaphore, #tpu.memory_space<semaphore_mem>>) src(%dma_wait3A_542 : memref<200x64xf32, #tpu.memory_space<vmem>>) dst(%dma_wait3A_535 : memref<200x64xf32, #tpu.memory_space<hbm>>)
        %dma_start3A_543 = arith.constant 1 : i32
        %dma_start3A_544 = arith.constant 0 : i32
        %dma_start3A_545 = arith.constant 0 : i32
        %dma_start3A_546 = tpu.memref_slice %arg6[%dma_start3A_543, %dma_start3A_544, %dma_start3A_545] : memref<4x200x128xf32, #tpu.memory_space<vmem>> -> memref<1x200x128xf32, #tpu.memory_space<vmem>>
        %dma_start3A_547 = tpu.memref_squeeze %dma_start3A_546 : memref<1x200x128xf32, #tpu.memory_space<vmem>> -> memref<200x128xf32, #tpu.memory_space<vmem>>
        %dma_start3A_548 = arith.constant 0 : i32
        %dma_start3A_549 = arith.constant 0 : i32
        %dma_start3A_550 = tpu.memref_slice %dma_start3A_547[%dma_start3A_548, %dma_start3A_549] : memref<200x128xf32, #tpu.memory_space<vmem>> -> memref<128x128xf32, #tpu.memory_space<vmem>>
        %dma_start3A_551 = arith.constant 0 : i32
        %dma_start3A_552 = tpu.memref_slice %arg5[%add3A_509, %dma_start3A_551] : memref<128x200xi32, #tpu.memory_space<vmem>> -> memref<1x200xi32, #tpu.memory_space<vmem>>
        %dma_start3A_553 = tpu.memref_squeeze %dma_start3A_552 : memref<1x200xi32, #tpu.memory_space<vmem>> -> memref<200xi32, #tpu.memory_space<vmem>>
        %dma_start3A_554 = arith.constant 0 : i32
        %dma_start3A_555 = tpu.memref_slice %dma_start3A_553[%dma_start3A_554] : memref<200xi32, #tpu.memory_space<vmem>> -> memref<128xi32, #tpu.memory_space<vmem>>
        %dma_start3A_556 = arith.constant 0 : i32
        %dma_start3A_557 = arith.constant 0 : i32
        %dma_start3A_558 = tpu.memref_slice %arg3[%dma_start3A_556, %dma_start3A_557] : memref<1000000x128xf32, #tpu.memory_space<hbm>> -> memref<1000000x128xf32, #tpu.memory_space<hbm>>
        tpu.enqueue_indirect_dma source(%dma_start3A_558 : memref<1000000x128xf32, #tpu.memory_space<hbm>>) target(%dma_start3A_550 : memref<128x128xf32, #tpu.memory_space<vmem>>) offsets(%dma_start3A_555 : memref<128xi32, #tpu.memory_space<vmem>>) semaphore(%arg8 : memref<!tpu.dma_semaphore, #tpu.memory_space<semaphore_mem>>)
        %dma_start3A_559 = arith.constant 1 : i32
        %dma_start3A_560 = arith.constant 0 : i32
        %dma_start3A_561 = arith.constant 0 : i32
        %dma_start3A_562 = tpu.memref_slice %arg6[%dma_start3A_559, %dma_start3A_560, %dma_start3A_561] : memref<4x200x128xf32, #tpu.memory_space<vmem>> -> memref<1x200x128xf32, #tpu.memory_space<vmem>>
        %dma_start3A_563 = tpu.memref_squeeze %dma_start3A_562 : memref<1x200x128xf32, #tpu.memory_space<vmem>> -> memref<200x128xf32, #tpu.memory_space<vmem>>
        %dma_start3A_564 = arith.constant 128 : i32
        %dma_start3A_565 = arith.constant 0 : i32
        %dma_start3A_566 = tpu.memref_slice %dma_start3A_563[%dma_start3A_564, %dma_start3A_565] : memref<200x128xf32, #tpu.memory_space<vmem>> -> memref<72x128xf32, #tpu.memory_space<vmem>>
        %dma_start3A_567 = arith.constant 0 : i32
        %dma_start3A_568 = tpu.memref_slice %arg5[%add3A_509, %dma_start3A_567] : memref<128x200xi32, #tpu.memory_space<vmem>> -> memref<1x200xi32, #tpu.memory_space<vmem>>
        %dma_start3A_569 = tpu.memref_squeeze %dma_start3A_568 : memref<1x200xi32, #tpu.memory_space<vmem>> -> memref<200xi32, #tpu.memory_space<vmem>>
        %dma_start3A_570 = arith.constant 128 : i32
        %dma_start3A_571 = tpu.memref_slice %dma_start3A_569[%dma_start3A_570] : memref<200xi32, #tpu.memory_space<vmem>> -> memref<72xi32, #tpu.memory_space<vmem>>
        %dma_start3A_572 = arith.constant 0 : i32
        %dma_start3A_573 = arith.constant 0 : i32
        %dma_start3A_574 = tpu.memref_slice %arg3[%dma_start3A_572, %dma_start3A_573] : memref<1000000x128xf32, #tpu.memory_space<hbm>> -> memref<1000000x128xf32, #tpu.memory_space<hbm>>
        tpu.enqueue_indirect_dma source(%dma_start3A_574 : memref<1000000x128xf32, #tpu.memory_space<hbm>>) target(%dma_start3A_566 : memref<72x128xf32, #tpu.memory_space<vmem>>) offsets(%dma_start3A_571 : memref<72xi32, #tpu.memory_space<vmem>>) semaphore(%arg8 : memref<!tpu.dma_semaphore, #tpu.memory_space<semaphore_mem>>)
      } else {
      }
    }
    %scan3A_142 = arith.constant 32 : i32
    %add3A_143 = arith.constant 124 : i32
    %add3A_144 = arith.addi %mul3A_2, %add3A_143 : i32
    %dma_wait3A = arith.constant 0 : i32
    %dma_wait3A_145 = arith.constant 0 : i32
    %dma_wait3A_146 = arith.constant 0 : i32
    %dma_wait3A_147 = tpu.memref_slice %arg6[%dma_wait3A, %dma_wait3A_145, %dma_wait3A_146] : memref<4x200x128xf32, #tpu.memory_space<vmem>> -> memref<1x200x128xf32, #tpu.memory_space<vmem>>
    %dma_wait3A_148 = tpu.memref_squeeze %dma_wait3A_147 : memref<1x200x128xf32, #tpu.memory_space<vmem>> -> memref<200x128xf32, #tpu.memory_space<vmem>>
    %dma_wait3A_149 = arith.constant 0 : i32
    %dma_wait3A_150 = arith.constant 0 : i32
    %dma_wait3A_151 = tpu.memref_slice %dma_wait3A_148[%dma_wait3A_149, %dma_wait3A_150] : memref<200x128xf32, #tpu.memory_space<vmem>> -> memref<200x64xf32, #tpu.memory_space<vmem>>
    %dma_wait3A_152 = arith.constant 0 : i32
    %dma_wait3A_153 = arith.constant 0 : i32
    %dma_wait3A_154 = tpu.memref_slice %arg4[%add3A_144, %dma_wait3A_152, %dma_wait3A_153] : memref<4096x200x128xf32, #tpu.memory_space<hbm>> -> memref<1x200x64xf32, #tpu.memory_space<hbm>>
    %dma_wait3A_155 = tpu.memref_squeeze %dma_wait3A_154 : memref<1x200x64xf32, #tpu.memory_space<hbm>> -> memref<200x64xf32, #tpu.memory_space<hbm>>
    %dma_wait3A_156 = arith.constant 0 : i32
    %dma_wait3A_157 = arith.constant 0 : i32
    %dma_wait3A_158 = tpu.memref_slice %arg4[%add3A_144, %dma_wait3A_156, %dma_wait3A_157] : memref<4096x200x128xf32, #tpu.memory_space<hbm>> -> memref<1x200x64xf32, #tpu.memory_space<hbm>>
    %dma_wait3A_159 = tpu.memref_squeeze %dma_wait3A_158 : memref<1x200x64xf32, #tpu.memory_space<hbm>> -> memref<200x64xf32, #tpu.memory_space<hbm>>
    %dma_wait3A_160 = arith.constant 0 : i32
    %dma_wait3A_161 = arith.constant 0 : i32
    %dma_wait3A_162 = tpu.memref_slice %arg6[%dma_wait3A, %dma_wait3A_160, %dma_wait3A_161] : memref<4x200x128xf32, #tpu.memory_space<vmem>> -> memref<1x200x128xf32, #tpu.memory_space<vmem>>
    %dma_wait3A_163 = tpu.memref_squeeze %dma_wait3A_162 : memref<1x200x128xf32, #tpu.memory_space<vmem>> -> memref<200x128xf32, #tpu.memory_space<vmem>>
    %dma_wait3A_164 = arith.constant 0 : i32
    %dma_wait3A_165 = arith.constant 0 : i32
    %dma_wait3A_166 = tpu.memref_slice %dma_wait3A_163[%dma_wait3A_164, %dma_wait3A_165] : memref<200x128xf32, #tpu.memory_space<vmem>> -> memref<200x64xf32, #tpu.memory_space<vmem>>
    tpu.wait_dma2 semaphore(%arg11 : memref<!tpu.dma_semaphore, #tpu.memory_space<semaphore_mem>>) src(%dma_wait3A_166 : memref<200x64xf32, #tpu.memory_space<vmem>>) dst(%dma_wait3A_159 : memref<200x64xf32, #tpu.memory_space<hbm>>)
    %add3A_167 = arith.constant 125 : i32
    %add3A_168 = arith.addi %mul3A_2, %add3A_167 : i32
    %dma_wait3A_169 = arith.constant 1 : i32
    %dma_wait3A_170 = arith.constant 0 : i32
    %dma_wait3A_171 = arith.constant 0 : i32
    %dma_wait3A_172 = tpu.memref_slice %arg6[%dma_wait3A_169, %dma_wait3A_170, %dma_wait3A_171] : memref<4x200x128xf32, #tpu.memory_space<vmem>> -> memref<1x200x128xf32, #tpu.memory_space<vmem>>
    %dma_wait3A_173 = tpu.memref_squeeze %dma_wait3A_172 : memref<1x200x128xf32, #tpu.memory_space<vmem>> -> memref<200x128xf32, #tpu.memory_space<vmem>>
    %dma_wait3A_174 = arith.constant 0 : i32
    %dma_wait3A_175 = arith.constant 0 : i32
    %dma_wait3A_176 = tpu.memref_slice %dma_wait3A_173[%dma_wait3A_174, %dma_wait3A_175] : memref<200x128xf32, #tpu.memory_space<vmem>> -> memref<200x64xf32, #tpu.memory_space<vmem>>
    %dma_wait3A_177 = arith.constant 0 : i32
    %dma_wait3A_178 = arith.constant 0 : i32
    %dma_wait3A_179 = tpu.memref_slice %arg4[%add3A_168, %dma_wait3A_177, %dma_wait3A_178] : memref<4096x200x128xf32, #tpu.memory_space<hbm>> -> memref<1x200x64xf32, #tpu.memory_space<hbm>>
    %dma_wait3A_180 = tpu.memref_squeeze %dma_wait3A_179 : memref<1x200x64xf32, #tpu.memory_space<hbm>> -> memref<200x64xf32, #tpu.memory_space<hbm>>
    %dma_wait3A_181 = arith.constant 0 : i32
    %dma_wait3A_182 = arith.constant 0 : i32
    %dma_wait3A_183 = tpu.memref_slice %arg4[%add3A_168, %dma_wait3A_181, %dma_wait3A_182] : memref<4096x200x128xf32, #tpu.memory_space<hbm>> -> memref<1x200x64xf32, #tpu.memory_space<hbm>>
    %dma_wait3A_184 = tpu.memref_squeeze %dma_wait3A_183 : memref<1x200x64xf32, #tpu.memory_space<hbm>> -> memref<200x64xf32, #tpu.memory_space<hbm>>
    %dma_wait3A_185 = arith.constant 0 : i32
    %dma_wait3A_186 = arith.constant 0 : i32
    %dma_wait3A_187 = tpu.memref_slice %arg6[%dma_wait3A_169, %dma_wait3A_185, %dma_wait3A_186] : memref<4x200x128xf32, #tpu.memory_space<vmem>> -> memref<1x200x128xf32, #tpu.memory_space<vmem>>
    %dma_wait3A_188 = tpu.memref_squeeze %dma_wait3A_187 : memref<1x200x128xf32, #tpu.memory_space<vmem>> -> memref<200x128xf32, #tpu.memory_space<vmem>>
    %dma_wait3A_189 = arith.constant 0 : i32
    %dma_wait3A_190 = arith.constant 0 : i32
    %dma_wait3A_191 = tpu.memref_slice %dma_wait3A_188[%dma_wait3A_189, %dma_wait3A_190] : memref<200x128xf32, #tpu.memory_space<vmem>> -> memref<200x64xf32, #tpu.memory_space<vmem>>
    tpu.wait_dma2 semaphore(%arg12 : memref<!tpu.dma_semaphore, #tpu.memory_space<semaphore_mem>>) src(%dma_wait3A_191 : memref<200x64xf32, #tpu.memory_space<vmem>>) dst(%dma_wait3A_184 : memref<200x64xf32, #tpu.memory_space<hbm>>)
    %add3A_192 = arith.constant 126 : i32
    %add3A_193 = arith.addi %mul3A_2, %add3A_192 : i32
    %dma_wait3A_194 = arith.constant 2 : i32
    %dma_wait3A_195 = arith.constant 0 : i32
    %dma_wait3A_196 = arith.constant 0 : i32
    %dma_wait3A_197 = tpu.memref_slice %arg6[%dma_wait3A_194, %dma_wait3A_195, %dma_wait3A_196] : memref<4x200x128xf32, #tpu.memory_space<vmem>> -> memref<1x200x128xf32, #tpu.memory_space<vmem>>
    %dma_wait3A_198 = tpu.memref_squeeze %dma_wait3A_197 : memref<1x200x128xf32, #tpu.memory_space<vmem>> -> memref<200x128xf32, #tpu.memory_space<vmem>>
    %dma_wait3A_199 = arith.constant 0 : i32
    %dma_wait3A_200 = arith.constant 0 : i32
    %dma_wait3A_201 = tpu.memref_slice %dma_wait3A_198[%dma_wait3A_199, %dma_wait3A_200] : memref<200x128xf32, #tpu.memory_space<vmem>> -> memref<200x64xf32, #tpu.memory_space<vmem>>
    %dma_wait3A_202 = arith.constant 0 : i32
    %dma_wait3A_203 = arith.constant 0 : i32
    %dma_wait3A_204 = tpu.memref_slice %arg4[%add3A_193, %dma_wait3A_202, %dma_wait3A_203] : memref<4096x200x128xf32, #tpu.memory_space<hbm>> -> memref<1x200x64xf32, #tpu.memory_space<hbm>>
    %dma_wait3A_205 = tpu.memref_squeeze %dma_wait3A_204 : memref<1x200x64xf32, #tpu.memory_space<hbm>> -> memref<200x64xf32, #tpu.memory_space<hbm>>
    %dma_wait3A_206 = arith.constant 0 : i32
    %dma_wait3A_207 = arith.constant 0 : i32
    %dma_wait3A_208 = tpu.memref_slice %arg4[%add3A_193, %dma_wait3A_206, %dma_wait3A_207] : memref<4096x200x128xf32, #tpu.memory_space<hbm>> -> memref<1x200x64xf32, #tpu.memory_space<hbm>>
    %dma_wait3A_209 = tpu.memref_squeeze %dma_wait3A_208 : memref<1x200x64xf32, #tpu.memory_space<hbm>> -> memref<200x64xf32, #tpu.memory_space<hbm>>
    %dma_wait3A_210 = arith.constant 0 : i32
    %dma_wait3A_211 = arith.constant 0 : i32
    %dma_wait3A_212 = tpu.memref_slice %arg6[%dma_wait3A_194, %dma_wait3A_210, %dma_wait3A_211] : memref<4x200x128xf32, #tpu.memory_space<vmem>> -> memref<1x200x128xf32, #tpu.memory_space<vmem>>
    %dma_wait3A_213 = tpu.memref_squeeze %dma_wait3A_212 : memref<1x200x128xf32, #tpu.memory_space<vmem>> -> memref<200x128xf32, #tpu.memory_space<vmem>>
    %dma_wait3A_214 = arith.constant 0 : i32
    %dma_wait3A_215 = arith.constant 0 : i32
    %dma_wait3A_216 = tpu.memref_slice %dma_wait3A_213[%dma_wait3A_214, %dma_wait3A_215] : memref<200x128xf32, #tpu.memory_space<vmem>> -> memref<200x64xf32, #tpu.memory_space<vmem>>
    tpu.wait_dma2 semaphore(%arg13 : memref<!tpu.dma_semaphore, #tpu.memory_space<semaphore_mem>>) src(%dma_wait3A_216 : memref<200x64xf32, #tpu.memory_space<vmem>>) dst(%dma_wait3A_209 : memref<200x64xf32, #tpu.memory_space<hbm>>)
    %add3A_217 = arith.constant 127 : i32
    %add3A_218 = arith.addi %mul3A_2, %add3A_217 : i32
    %dma_wait3A_219 = arith.constant 3 : i32
    %dma_wait3A_220 = arith.constant 0 : i32
    %dma_wait3A_221 = arith.constant 0 : i32
    %dma_wait3A_222 = tpu.memref_slice %arg6[%dma_wait3A_219, %dma_wait3A_220, %dma_wait3A_221] : memref<4x200x128xf32, #tpu.memory_space<vmem>> -> memref<1x200x128xf32, #tpu.memory_space<vmem>>
    %dma_wait3A_223 = tpu.memref_squeeze %dma_wait3A_222 : memref<1x200x128xf32, #tpu.memory_space<vmem>> -> memref<200x128xf32, #tpu.memory_space<vmem>>
    %dma_wait3A_224 = arith.constant 0 : i32
    %dma_wait3A_225 = arith.constant 0 : i32
    %dma_wait3A_226 = tpu.memref_slice %dma_wait3A_223[%dma_wait3A_224, %dma_wait3A_225] : memref<200x128xf32, #tpu.memory_space<vmem>> -> memref<200x64xf32, #tpu.memory_space<vmem>>
    %dma_wait3A_227 = arith.constant 0 : i32
    %dma_wait3A_228 = arith.constant 0 : i32
    %dma_wait3A_229 = tpu.memref_slice %arg4[%add3A_218, %dma_wait3A_227, %dma_wait3A_228] : memref<4096x200x128xf32, #tpu.memory_space<hbm>> -> memref<1x200x64xf32, #tpu.memory_space<hbm>>
    %dma_wait3A_230 = tpu.memref_squeeze %dma_wait3A_229 : memref<1x200x64xf32, #tpu.memory_space<hbm>> -> memref<200x64xf32, #tpu.memory_space<hbm>>
    %dma_wait3A_231 = arith.constant 0 : i32
    %dma_wait3A_232 = arith.constant 0 : i32
    %dma_wait3A_233 = tpu.memref_slice %arg4[%add3A_218, %dma_wait3A_231, %dma_wait3A_232] : memref<4096x200x128xf32, #tpu.memory_space<hbm>> -> memref<1x200x64xf32, #tpu.memory_space<hbm>>
    %dma_wait3A_234 = tpu.memref_squeeze %dma_wait3A_233 : memref<1x200x64xf32, #tpu.memory_space<hbm>> -> memref<200x64xf32, #tpu.memory_space<hbm>>
    %dma_wait3A_235 = arith.constant 0 : i32
    %dma_wait3A_236 = arith.constant 0 : i32
    %dma_wait3A_237 = tpu.memref_slice %arg6[%dma_wait3A_219, %dma_wait3A_235, %dma_wait3A_236] : memref<4x200x128xf32, #tpu.memory_space<vmem>> -> memref<1x200x128xf32, #tpu.memory_space<vmem>>
    %dma_wait3A_238 = tpu.memref_squeeze %dma_wait3A_237 : memref<1x200x128xf32, #tpu.memory_space<vmem>> -> memref<200x128xf32, #tpu.memory_space<vmem>>
    %dma_wait3A_239 = arith.constant 0 : i32
    %dma_wait3A_240 = arith.constant 0 : i32
    %dma_wait3A_241 = tpu.memref_slice %dma_wait3A_238[%dma_wait3A_239, %dma_wait3A_240] : memref<200x128xf32, #tpu.memory_space<vmem>> -> memref<200x64xf32, #tpu.memory_space<vmem>>
    tpu.wait_dma2 semaphore(%arg14 : memref<!tpu.dma_semaphore, #tpu.memory_space<semaphore_mem>>) src(%dma_wait3A_241 : memref<200x64xf32, #tpu.memory_space<vmem>>) dst(%dma_wait3A_234 : memref<200x64xf32, #tpu.memory_space<hbm>>)
    return
  }
}

</mosaic_0001>

<sc_bundles>
// kernel: kernel.3.cloned.1.call-start
scs
__scs_entry_jumppad:
0x0: {  	(pc) =	sbr.rel $0x88, $3  }
0x1: {  	(tag) =	ssettag $0x0;
	lr =	simm.s32 $0x1  }
0x2: {  	[smem:$0x3F9F] =	sst lr;
	_ =	strace $0xD0000000  }
0x3: {  	_ = 	snop  }
0x4: {  	_ = 	snop  }
0x5: {  	_ = 	snop  }
0x6: {  	_ = 	snop  }
0x7: {  	_ = 	snop  }
__scs_overlays_trampoline_lowered:
0x8: {  	[smem:$0x3FAE] =	sst s0  }
0x9: {  	[smem:$0x3FAF] =	sst s1  }
0xa: {  	[smem:$0x3FB0] =	sst s2  }
0xb: {  	[smem:$0x3FB1] =	sst s3  }
0xc: {  	[smem:$0x3FB2] =	sst s4  }
0xd: {  	[smem:$0x3FB3] =	sst s5  }
0xe: {  	[smem:$0x3FB4] =	sst s6  }
0xf: {  	[smem:$0x3FB5] =	sst s7  }
0x10: {  	[smem:$0x3FB6] =	sst s8  }
0x11: {  	[smem:$0x3FB7] =	sst s9;
	s0 =	simm.s32 @!p0 $0x0  }
0x12: {  	s1 =	sld [smem:$0x3F9D];
	s0 =	simm.s32 @p0 $0x1  }
0x13: {  	[smem:$0x3FB8] =	sst s0;
	s0 =	simm.s32 @!p1 $0x0  }
0x14: {  	s2 =	sld [smem:$0x3F9C];
	s0 =	simm.s32 @p1 $0x1  }
0x15: {  	[smem:$0x3FB9] =	sst s0;
	s0 =	simm.s32 @!p2 $0x0  }
0x16: {  	s3 =	sld [smem:$0x3FDB];
	s0 =	simm.s32 @p2 $0x1  }
0x17: {  	s4 =	simm.s32 $0x1BF5;
	[smem:$0x3FBB] =	sst s0  }
0x18: {  	s0 =	sld [smem:$0x3F9E];
	_ =	swait.ge [sflag:s4], $0x0  }
0x19: {  	s7 =	sld [smem:$0x3F9F]  }
0x1a: {  	s8 =	sadd.s32 $0xFFFFE003, lr  }
0x1b: {  	s9 =	sadd.s32 $0xFFFFFEF7, lr;
	s5 =	simm.s32 $0xFFFFFFFF;
	p2 =	slt.u32 s8, $0xFFFFF086  }
0x1c: {  	p1 =	slt.u32 s9, $0xF7A;
	s5 =	simm.s32 @!p2 $0x0  }
0x1d: {  	s5 =	simm.s32 @p1 $0x1;
	p0 =	seq.s32 s7, s2  }
0x1e: {  	s7 =	smul.u32 @!p0 $0xF7A, s2;
	p2 =	seq.s32 @!p0 s5, $0x0  }
0x1f: {  	s9 =	smul.u32 $0xF7A, s1;
	s8 =	simm.s32 @!p0 $0x1BF5;
	p2 =	por !p2, p0  }
0x20: {  	[sflag:s8] =	ssyncset.s32 @!p0 $0xFFFFF086;
	s6 =	sadd.s32 @!p0 s3, s7;
	s7 =	simm.s32 @!p0 $0x108  }
0x21: {  	s3 =	sadd.s32 s3, s9;
	s6 =	sadd.s32 @!p0 $0x88, s6;
	s7 =	simm.s32 @p2 $0x1082  }
0x22: {  	[simem:s7], [sflag:s8] =	dma.local @!p0 [hbm:s6], $0xF7A  }
0x23: {  	s9 =	sor.u32 $0xD0000000, s2;
	s6 =	simm.s32 $0x108;
	_ =	swait.ge @!p0 [sflag:s8], $0x0  }
0x24: {  	s3 =	sadd.s32 $0x88, s3;
	s6 =	simm.s32 @!p1 $0x1082;
	[sflag:s4] =	ssyncset.s32 $0xFFFFF086  }
0x25: {  	[simem:s6], [sflag:s4] =	dma.local [hbm:s3], $0xF7A  }
0x26: {  	[smem:$0x3F9F] =	sst s1;
	(tag) =	ssettag s2;
	_ =	strace s9  }
0x27: {  	s1 =	sld [smem:$0x3FAF]  }
0x28: {  	s2 =	sld [smem:$0x3FB0]  }
0x29: {  	s4 =	sld [smem:$0x3FB2]  }
0x2a: {  	p0 =	seq.s32 s5, $0x0;
	s5 =	sld [smem:$0x3FB3]  }
0x2b: {  	s6 =	sld [smem:$0x3FB4]  }
0x2c: {  	s7 =	sld [smem:$0x3FB5]  }
0x2d: {  	s3 =	simm.s32 $0x108;
	s8 =	sld [smem:$0x3FB6]  }
0x2e: {  	s3 =	simm.s32 @!p0 $0x1082;
	s9 =	sld [smem:$0x3FB7]  }
0x2f: {  	lr =	sadd.s32 s0, s3;
	s0 =	sld [smem:$0x3FAE]  }
0x30: {  	s3 =	sld [smem:$0x3FB1]  }
0x31: {  	[smem:$0x3FBA] =	sst s10  }
0x32: {  	s10 =	sld [smem:$0x3FB8];
	_ =	sdelay $0x3  }
0x33: {  	p0 =	seq.s32 s10, $0x1;
	s10 =	sld [smem:$0x3FBA];
	_ =	sdelay $0x3  }
0x34: {  	[smem:$0x3FBA] =	sst s10  }
0x35: {  	s10 =	sld [smem:$0x3FB9];
	_ =	sdelay $0x3  }
0x36: {  	p1 =	seq.s32 s10, $0x1;
	s10 =	sld [smem:$0x3FBA];
	_ =	sdelay $0x3  }
0x37: {  	[smem:$0x3FBA] =	sst s10  }
0x38: {  	s10 =	sld [smem:$0x3FBB]  }
0x39: {  	_ = 	snop;
	(pc) =	sbr.ind lr, $3  }
0x3a: {  	_ = 	snop  }
0x3b: {  	_ = 	snop  }
0x3c: {  	p2 =	seq.s32 s10, $0x1;
	s10 =	sld [smem:$0x3FBA]  }
0x3d: {  	_ =	shalt  }
0x3e: {  	_ =	shalt  }
0x3f: {  	_ =	shalt  }
0x40: {  	_ =	shalt  }
0x41: {  	_ =	shalt  }
0x42: {  	_ =	shalt  }
0x43: {  	_ =	shalt  }
0x44: {  	_ =	shalt  }
0x45: {  	_ =	shalt  }
0x46: {  	_ =	shalt  }
0x47: {  	_ =	shalt  }
0x48: {  	_ =	shalt  }
0x49: {  	_ =	shalt  }
0x4a: {  	_ =	shalt  }
0x4b: {  	_ =	shalt  }
0x4c: {  	_ =	shalt  }
0x4d: {  	_ =	shalt  }
0x4e: {  	_ =	shalt  }
0x4f: {  	_ =	shalt  }
0x50: {  	_ =	shalt  }
0x51: {  	_ =	shalt  }
0x52: {  	_ =	shalt  }
0x53: {  	_ =	shalt  }
0x54: {  	_ =	shalt  }
0x55: {  	_ =	shalt  }
0x56: {  	_ =	shalt  }
0x57: {  	_ =	shalt  }
0x58: {  	_ =	shalt  }
0x59: {  	_ =	shalt  }
0x5a: {  	_ =	shalt  }
0x5b: {  	_ =	shalt  }
0x5c: {  	_ =	shalt  }
0x5d: {  	_ =	shalt  }
0x5e: {  	_ =	shalt  }
0x5f: {  	_ =	shalt  }
0x60: {  	_ =	shalt  }
0x61: {  	_ =	shalt  }
0x62: {  	_ =	shalt  }
0x63: {  	_ =	shalt  }
0x64: {  	_ =	shalt  }
0x65: {  	_ =	shalt  }
0x66: {  	_ =	shalt  }
0x67: {  	_ =	shalt  }
0x68: {  	_ =	shalt  }
0x69: {  	_ =	shalt  }
0x6a: {  	_ =	shalt  }
0x6b: {  	_ =	shalt  }
0x6c: {  	_ =	shalt  }
0x6d: {  	_ =	shalt  }
0x6e: {  	_ =	shalt  }
0x6f: {  	_ =	shalt  }
0x70: {  	_ =	shalt  }
0x71: {  	_ =	shalt  }
0x72: {  	_ =	shalt  }
0x73: {  	_ =	shalt  }
0x74: {  	_ =	shalt  }
0x75: {  	_ =	shalt  }
0x76: {  	_ =	shalt  }
0x77: {  	_ =	shalt  }
0x78: {  	_ =	shalt  }
0x79: {  	_ =	shalt  }
0x7a: {  	_ =	shalt  }
0x7b: {  	_ =	shalt  }
0x7c: {  	_ =	shalt  }
0x7d: {  	_ =	shalt  }
0x7e: {  	_ =	shalt  }
0x7f: {  	_ =	shalt  }
0x80: {  	_ =	shalt  }
0x81: {  	_ =	shalt  }
0x82: {  	_ =	shalt  }
0x83: {  	_ =	shalt  }
0x84: {  	_ =	shalt  }
0x85: {  	_ =	shalt  }
0x86: {  	_ =	shalt  }
0x87: {  	_ =	shalt  }
.Lfunc_end0:
.L_simem_size_0:
called_computation.1_lowered:
.L_overlay_start_0:
0x88: {  	s2 =	sld [smem:$0x3FD9]  }
0x89: {  	s3 =	sld [smem:$0x3FFE];
	_ =	sdelay $0x1  }
0x8a: {  	s1 =	srdreg.scid  }
0x8b: {  	s0 =	sand.u32 $0x1, s1  }
0x8c: {  	s17 =	sshll.u32 s0, $0xA;
	s2 =	sadd.s32 s3, s2  }
0x8d: {  	s2 =	sadd.s32 s2, s17  }
0x8e: {  	[smem:$0x3FC6] =	sst s2  }
0x8f: {  	_ = 	snop  }
0x90: {  	s2 =	sld [smem:$0x3FD0];
	(tm) =	ssettm $0x1  }
0x91: {  	s18 =	sld [smem:$0x3FFB];
	_ =	sdelay $0x3  }
0x92: {  	_ =	strace s18  }
0x93: {  	s3 =	sld [smem:$0x3FFC];
	_ =	sdelay $0x3  }
0x94: {  	_ =	strace s3  }
0x95: {  	s3 =	sld [smem:$0x3FFD];
	_ =	sdelay $0x3  }
0x96: {  	_ =	strace s3  }
0x97: {  	_ =	strace $0x8FFFFFFF  }
0x98: {  	s19 =	sld [smem:$0x3FDB];
	_ =	sdelay $0x1  }
0x99: {  	s4 =	simm.s32 $_scs_section_size  }
0x9a: {  	s5 =	simm.s32 $_size__tile_overlayer_lowered;
	s6 =	simm.s32 $_tile_overlayer_lowered  }
0x9b: {  	s22 =	simm.s32 $0x1BFF;
	s21 =	sshll.u32 s6, $0x1;
	s3 =	sadd.s32 s4, s19  }
0x9c: {  	s7 =	simm.s32 $0x0;
	s20 =	sshll.u32 s5, $0x1;
	s5 =	sadd.s32 s21, s3  }
0x9d: {  	[timem:s7], [sflag:s22] =	dma.local [hbm:s5], s20  }
0x9e: {  	_ =	swait.ge [sflag:s22], s20  }
0x9f: {  	s4 =	ssub.s32 $0x0, s20;
	[sflag:s22] =	ssyncset.done $0x0  }
0xa0: {  	[sflag:s22] =	ssyncadd.s32 s4;
	_ =	sdelay $0x1  }
0xa1: {  	s23 =	simm.s32 $0x1B8B  }
0xa2: {  	_ =	swait.ge [sflag:s23], $0x1  }
0xa3: {  	[sflag:s23] =	ssyncset.done $0x0  }
0xa4: {  	s25 =	simm.s32 $0x1B8E;
	s24 =	sld [smem:$0x3FFE];
	[sflag:s23] =	ssyncadd.s32 $0xFFFFFFFF  }
0xa5: {  	s26 =	simm.s32 $execute0_lowered;
	[smem:$0x3FD2] =	sst s25  }
0xa6: {  	s5 =	sshll.u32 s26, $0x1;
	_ =	strace $0x80000046;
	[dreg:$0x1] =	wrdreg $0xFFFFFFFF  }
0xa7: {  	s28 =	simm.s32 $_size_execute0_lowered;
	s3 =	sadd.s32 s3, s5;
	[dreg:$0x0] =	wrdreg $0x0  }
0xa8: {  	s5 =	sshll.u32 s28, $0x1;
	[dreg:$0x2] =	wrdreg s3  }
0xa9: {  	[dreg:$0x3] =	wrdreg s5  }
0xaa: {  	[dreg:$0x4] =	wrdreg $0xC0  }
0xab: {  	_ =	task [dreg:s7], $0x5FFFF  }
0xac: {  	[dreg:$0x1] =	wrdreg $0xFFFFFFFF  }
0xad: {  	[dreg:$0x0] =	wrdreg $0x60  }
0xae: {  	[dreg:$0x2] =	wrdreg s2  }
0xaf: {  	[dreg:$0x3] =	wrdreg s24  }
0xb0: {  	[dreg:$0x4] =	wrdreg $0x9  }
0xb1: {  	_ =	task.clear_ibuf [dreg:s7], $0x5FFFF;
	_ =	strace $0x90000046  }
0xb2: {  	s29 =	simm.s32 $0x9;
	_ =	strace $0x80000048  }
0xb3: {  	_ =	swait.ge [sflag:s29], $0x1  }
0xb4: {  	[sflag:s29] =	ssyncadd.s32 $0xFFFFFFFF  }
0xb5: {  	_ =	strace $0x90000048  }
0xb6: {  	_ =	sfence  }
0xb7: {  	s30 =	sld [smem:$0x0];
	_ =	sdelay $0x2  }
0xb8: {  	s31 =	sshll.u32 s1, $0xD;
	s1 =	sshrl.u32 s1, $0x2  }
0xb9: {  	s3 =	sand.u32 $0x4000, s31;
	s1 =	sadd.s32 s1, s30  }
0xba: {  	s0 =	sor.u32 s3, s0;
	s1 =	sshll.u32 s1, $0x11  }
0xbb: {  	s0 =	sor.u32 s1, s0  }
0xbc: {  	s0 =	sadd.s32 $0x8F2B, s0  }
0xbd: {  	[sflag:s0] =	ssyncadd.remote.s32 $0x1  }
0xbe: {  	_ =	sfence.sel $0xFFFF  }
0xbf: {  	[dreg:$0x0] =	wrdreg $0xFFFFFFFF;
	(pc) =	sbr.abs _section_cstart, $3  }
0xc0: {  	[dreg:$0x1] =	wrdreg $0xFFFFFFFF  }
0xc1: {  	_ =	task.clear_ibuf [dreg:s7], $0x2FFFF;
	_ =	strace $0x9FFFFFFF  }
0xc2: {  	(tm) =	ssettm $0x7FFFFFFF  }
0xc3: {  	_ =	shalt  }
tec
execute0_lowered:
.L_overlay_start_1:
0x0: {  	(tag) =	ssettag $0x1  }
0x1: {  	s0 =	srdreg.scid;
	s1 =	rddreg [dreg:$0x0]  }
0x2: {  	s2 =	stileid.u32;
	s5 =	rddreg [dreg:$0x1]  }
0x3: {  	s8 =	simm.s32 $0x9;
	s9 =	simm.s32 $0x80;
	s11 =	simm.s32 $0x48  }
0x4: {  	s14 =	simm.s32 $0xC800;
	s16 =	simm.s32 $0x10800;
	s22 =	simm.s32 $0x19000  }
0x5: {  	s23 =	simm.s32 $0x2D8;
	s24 =	simm.s32 $0x1D000;
	s25 =	simm.s32 $0x1  }
0x6: {  	s26 =	simm.s32 $0x2;
	s28 =	simm.s32 $0x3;
	s29 =	simm.s32 $0x4  }
0x7: {  	s30 =	simm.s32 $0x5;
	s31 =	simm.s32 $0x6;
	s10 =	simm.s32 $0x0  }
0x8: {  	s0 =	sand.u32 $0x1, s0;
	s3 =	sshll.u32 s2, $0x8;
	s2 =	simm.s32 $0x0  }
.Ltmp0:
0x9: {  	s4 =	sshll.u32 s0, $0x7;
	s0 =	ssub.s32 $0x2, s0;
	(pc) =	sbr.rel .LBB2_1-.Ltmp0, $4  }
0xa: {  	[smem:$0x7FF] =	sst s2;
	s3 =	sor.u32 s4, s3;
	s7 =	sshrl.u32 s0, $0x1  }
0xb: {  	_ =	strace $0x80000047;
	s6 =	smul.u32 $0x19, s3;
	s0 =	ssub.s32 s0, s7  }
0xc: {  	s4 =	sadd.s32 $0xF42E00, s5;
	s5 =	sadd.s32 $0xA00, s5;
	s7 =	smax.u32 s0, $0x1  }
0xd: {  	s0 =	simm.s32 $0x8;
	s6 =	sadd.s32 s1, s6;
	s1 =	simm.s32 $0x7  }
.LBB2_12:
0xe: {  	_ =	swait.ge [sflag:s30], $0x3200  }
0xf: {  	[sflag:s30] =	ssyncset.done $0x0  }
0x10: {  	[sflag:s30] =	ssyncadd.s32 $0xFFFFCE00  }
0x11: {  	_ =	swait.ge [sflag:s31], $0x3200  }
0x12: {  	[sflag:s31] =	ssyncset.done $0x0  }
0x13: {  	s10 =	sadd.s32 $0x1, s10;
	[sflag:s31] =	ssyncadd.s32 $0xFFFFCE00  }
0x14: {  	p0 =	sne.s32 s10, s7;
	_ =	swait.ge [sflag:s1], $0x3200  }
.Ltmp1:
0x15: {  	[sflag:s1] =	ssyncset.done $0x0;
	(pc) =	sbr.rel @!p0 .LBB2_13-.Ltmp1, $4  }
0x16: {  	[sflag:s1] =	ssyncadd.s32 $0xFFFFCE00  }
0x17: {  	_ =	swait.ge [sflag:s0], $0x3200  }
0x18: {  	[sflag:s0] =	ssyncset.done $0x0  }
0x19: {  	[sflag:s0] =	ssyncadd.s32 $0xFFFFCE00  }
.LBB2_1:
0x1a: {  	[tilespmem:s2], [sflag:$0x9] =	stream.linear.gather [hbm4b:s6+s2], $0x6400, $0x38;
	[tilespmem:$0x1F400] =	vst v63  }
0x1b: {  	_ =	swait.ge [sflag:s8], $0x6400  }
0x1c: {  	[sflag:s8] =	ssyncset.done $0x0  }
0x1d: {  	s12 =	simm.s32 $0x6400;
	[sflag:s8] =	ssyncadd.s32 $0xFFFF9C00  }
0x1e: {  	[tilespmem:s12], [sflag:$0x1] =	stream.indirect.gather [hbm4b:s4+s9], $0x80, s2, s9, $0xb8;
	[tilespmem:$0x1F400] =	vst v63  }
0x1f: {  	s13 =	simm.s32 $0xA400  }
0x20: {  	[tilespmem:s13], [sflag:$0x1] =	stream.indirect.gather [hbm4b:s4+s11], $0x80, s9, s11, $0xb8;
	[tilespmem:$0x1F400] =	vst v63  }
0x21: {  	s15 =	simm.s32 $0xC8  }
0x22: {  	[tilespmem:s14], [sflag:$0x2] =	stream.indirect.gather [hbm4b:s4+s9], $0x80, s15, s9, $0xb8;
	[tilespmem:$0x1F400] =	vst v63  }
0x23: {  	s17 =	simm.s32 $0x148  }
0x24: {  	[tilespmem:s16], [sflag:$0x2] =	stream.indirect.gather [hbm4b:s4+s11], $0x80, s17, s11, $0xb8;
	[tilespmem:$0x1F400] =	vst v63  }
0x25: {  	s18 =	simm.s32 $0x190;
	s13 =	simm.s32 $0x12C00  }
0x26: {  	[tilespmem:s13], [sflag:$0x3] =	stream.indirect.gather [hbm4b:s4+s9], $0x80, s18, s9, $0xb8;
	[tilespmem:$0x1F400] =	vst v63  }
0x27: {  	s19 =	simm.s32 $0x210;
	s20 =	simm.s32 $0x16C00  }
0x28: {  	[tilespmem:s20], [sflag:$0x3] =	stream.indirect.gather [hbm4b:s4+s11], $0x80, s19, s11, $0xb8;
	[tilespmem:$0x1F400] =	vst v63  }
0x29: {  	s21 =	simm.s32 $0x258  }
0x2a: {  	[tilespmem:s22], [sflag:$0x4] =	stream.indirect.gather [hbm4b:s4+s9], $0x80, s21, s9, $0xb8;
	[tilespmem:$0x1F400] =	vst v63  }
0x2b: {  	s12 =	simm.s32 $0x0  }
0x2c: {  	[tilespmem:s24], [sflag:$0x4] =	stream.indirect.gather [hbm4b:s4+s11], $0x80, s23, s11, $0xb8;
	[tilespmem:$0x1F400] =	vst v63  }
.LBB2_2:
0x2d: {  	_ =	swait.ge [sflag:s25], $0x4000;
	s13 =	sshll.u32 s12, $0x2  }
0x2e: {  	[sflag:s25] =	ssyncset.done $0x0;
	s15 =	sadd.s32 s3, s13  }
0x2f: {  	[sflag:s25] =	ssyncadd.s32 $0xFFFFC000;
	s15 =	smul.u32 $0xC80, s15  }
0x30: {  	s17 =	simm.s32 $0x6400;
	_ =	swait.ge [sflag:s25], $0x2400  }
0x31: {  	s18 =	simm.s32 $0x10;
	[sflag:s25] =	ssyncset.done $0x0;
	s15 =	sadd.s32 s5, s15  }
0x32: {  	s19 =	simm.s32 $0x6480;
	[sflag:s25] =	ssyncadd.s32 $0xFFFFDC00;
	s20 =	sadd.s32 $0x0, s15  }
.LBB2_3:
0x33: {  	[hbm4b:s20+s2] =	stream.linear.scatter [tilespmem:s17], [sflag:$0x5], $0x40, $0x38;
	[tilespmem:$0x1F400] =	vst v63  }
0x34: {  	s20 =	smov.u32 s18;
	s17 =	smov.u32 s19;
	p0 =	sne.s32 s18, $0xC70  }
.Ltmp2:
0x35: {  	s18 =	sadd.s32 $0x10, s18;
	(pc) =	sbr.rel @p0 .LBB2_3-.Ltmp2, $2  }
0x36: {  	_ =	sdelay $0x2  }
0x37: {  	s19 =	sadd.s32 $0x80, s19;
	s20 =	sadd.s32 s20, s15  }
0x38: {  	[hbm4b:s20+s2] =	stream.linear.scatter [tilespmem:s17], [sflag:$0x5], $0x40, $0x38;
	[tilespmem:$0x1F400] =	vst v63  }
0x39: {  	s15 =	sadd.s32 $0xFFFFFFFC, s13  }
0x3a: {  	p0 =	sgt.u32 s15, $0x7B  }
0x3b: {  	s15 =	sor.u32 $0x2, s13;
	s17 =	simm.s32 @!p0 $0x7  }
0x3c: {  	s18 =	smul.u32 @!p0 $0x320, s15;
	_ =	swait.ge @!p0 [sflag:s17], $0x3200  }
0x3d: {  	s19 =	simm.s32 @!p0 $0x12C00;
	[sflag:s17] =	ssyncset.done @!p0 $0x0  }
0x3e: {  	[sflag:s17] =	ssyncadd.s32 @!p0 $0xFFFFCE00;
	s17 =	sshra.s32 @!p0 s18, $0x2;
	s18 =	simm.s32 @!p0 $0x80  }
0x3f: {  	[tilespmem:s19], [sflag:$0x3] =	stream.indirect.gather @!p0 [hbm4b:s4+s18], $0x80, s17, s18, $0xb8;
	[tilespmem:$0x1F400] =	vst v63  }
0x40: {  	s17 =	sadd.s32 @!p0 $0x80, s17;
	s18 =	simm.s32 @!p0 $0x48;
	s19 =	simm.s32 @!p0 $0x16C00  }
0x41: {  	[tilespmem:s19], [sflag:$0x3] =	stream.indirect.gather @!p0 [hbm4b:s4+s18], $0x80, s17, s18, $0xb8;
	[tilespmem:$0x1F400] =	vst v63  }
0x42: {  	s21 =	sadd.s32 s13, s3;
	_ =	swait.ge [sflag:s26], $0x4000  }
0x43: {  	s17 =	smul.u32 $0xC80, s21;
	[sflag:s26] =	ssyncset.done $0x0  }
0x44: {  	[sflag:s26] =	ssyncadd.s32 $0xFFFFC000  }
0x45: {  	s20 =	simm.s32 $0xC880;
	s17 =	sadd.s32 s5, s17;
	_ =	swait.ge [sflag:s26], $0x2400  }
0x46: {  	s18 =	simm.s32 $0xC800;
	s17 =	sadd.s32 $0xC80, s17;
	[sflag:s26] =	ssyncset.done $0x0  }
0x47: {  	s19 =	simm.s32 $0x10;
	s21 =	sadd.s32 $0x0, s17;
	[sflag:s26] =	ssyncadd.s32 $0xFFFFDC00  }
.LBB2_5:
0x48: {  	[hbm4b:s21+s2] =	stream.linear.scatter [tilespmem:s18], [sflag:$0x6], $0x40, $0x38;
	[tilespmem:$0x1F400] =	vst v63  }
0x49: {  	s21 =	smov.u32 s19;
	s18 =	smov.u32 s20;
	p0 =	sne.s32 s19, $0xC70  }
.Ltmp3:
0x4a: {  	s19 =	sadd.s32 $0x10, s19;
	(pc) =	sbr.rel @p0 .LBB2_5-.Ltmp3, $2  }
0x4b: {  	_ =	sdelay $0x2  }
0x4c: {  	s20 =	sadd.s32 $0x80, s20;
	s21 =	sadd.s32 s21, s17  }
0x4d: {  	[hbm4b:s21+s2] =	stream.linear.scatter [tilespmem:s18], [sflag:$0x6], $0x40, $0x38;
	[tilespmem:$0x1F400] =	vst v63  }
0x4e: {  	p0 =	seq.s32 s12, $0x0  }
0x4f: {  	s13 =	sor.u32 $0x3, s13;
	s17 =	simm.s32 @!p0 $0x8  }
0x50: {  	s18 =	smul.u32 @!p0 $0x320, s13;
	_ =	swait.ge @!p0 [sflag:s17], $0x3200  }
0x51: {  	s19 =	simm.s32 @!p0 $0x19000;
	[sflag:s17] =	ssyncset.done @!p0 $0x0  }
0x52: {  	[sflag:s17] =	ssyncadd.s32 @!p0 $0xFFFFCE00;
	s17 =	sshra.s32 @!p0 s18, $0x2;
	s18 =	simm.s32 @!p0 $0x80  }
0x53: {  	[tilespmem:s19], [sflag:$0x4] =	stream.indirect.gather @!p0 [hbm4b:s4+s18], $0x80, s17, s18, $0xb8;
	[tilespmem:$0x1F400] =	vst v63  }
0x54: {  	s17 =	sadd.s32 @!p0 $0x80, s17;
	s18 =	simm.s32 @!p0 $0x48;
	s19 =	simm.s32 @!p0 $0x1D000  }
0x55: {  	[tilespmem:s19], [sflag:$0x4] =	stream.indirect.gather @!p0 [hbm4b:s4+s18], $0x80, s17, s18, $0xb8;
	[tilespmem:$0x1F400] =	vst v63  }
0x56: {  	s15 =	sadd.s32 s3, s15;
	_ =	swait.ge [sflag:s28], $0x4000  }
0x57: {  	s15 =	smul.u32 $0xC80, s15;
	[sflag:s28] =	ssyncset.done $0x0  }
0x58: {  	[sflag:s28] =	ssyncadd.s32 $0xFFFFC000  }
0x59: {  	s15 =	sadd.s32 s5, s15;
	_ =	swait.ge [sflag:s28], $0x2400  }
0x5a: {  	s20 =	sadd.s32 $0x0, s15;
	s17 =	simm.s32 $0x12C00;
	[sflag:s28] =	ssyncset.done $0x0  }
0x5b: {  	s18 =	simm.s32 $0x10;
	s19 =	simm.s32 $0x12C80;
	[sflag:s28] =	ssyncadd.s32 $0xFFFFDC00  }
.LBB2_7:
0x5c: {  	[hbm4b:s20+s2] =	stream.linear.scatter [tilespmem:s17], [sflag:$0x7], $0x40, $0x38;
	[tilespmem:$0x1F400] =	vst v63  }
0x5d: {  	s20 =	smov.u32 s18;
	s17 =	smov.u32 s19;
	p0 =	sne.s32 s18, $0xC70  }
.Ltmp4:
0x5e: {  	s18 =	sadd.s32 $0x10, s18;
	(pc) =	sbr.rel @p0 .LBB2_7-.Ltmp4, $2  }
0x5f: {  	_ =	sdelay $0x2  }
0x60: {  	s19 =	sadd.s32 $0x80, s19;
	s20 =	sadd.s32 s20, s15  }
0x61: {  	[hbm4b:s20+s2] =	stream.linear.scatter [tilespmem:s17], [sflag:$0x7], $0x40, $0x38;
	[tilespmem:$0x1F400] =	vst v63  }
0x62: {  	p0 =	seq.s32 s12, $0x1F  }
0x63: {  	s15 =	simm.s32 @!p0 $0x5  }
0x64: {  	s17 =	smul.u32 @!p0 $0xC80, s12;
	_ =	swait.ge @!p0 [sflag:s15], $0x3200  }
0x65: {  	[sflag:s15] =	ssyncset.done @!p0 $0x0  }
0x66: {  	[sflag:s15] =	ssyncadd.s32 @!p0 $0xFFFFCE00;
	s15 =	sshra.s32 @!p0 s17, $0x2  }
0x67: {  	s18 =	simm.s32 @!p0 $0x80;
	s19 =	simm.s32 @!p0 $0x6400;
	s17 =	sadd.s32 @!p0 $0x320, s15  }
0x68: {  	[tilespmem:s19], [sflag:$0x1] =	stream.indirect.gather @!p0 [hbm4b:s4+s18], $0x80, s17, s18, $0xb8;
	[tilespmem:$0x1F400] =	vst v63  }
0x69: {  	s15 =	sadd.s32 @!p0 $0x3A0, s15;
	s17 =	simm.s32 @!p0 $0x48;
	s18 =	simm.s32 @!p0 $0xA400  }
0x6a: {  	[tilespmem:s18], [sflag:$0x1] =	stream.indirect.gather @!p0 [hbm4b:s4+s17], $0x80, s15, s17, $0xb8;
	[tilespmem:$0x1F400] =	vst v63  }
0x6b: {  	s13 =	sadd.s32 s3, s13;
	_ =	swait.ge [sflag:s29], $0x4000  }
0x6c: {  	s13 =	smul.u32 $0xC80, s13;
	[sflag:s29] =	ssyncset.done $0x0  }
0x6d: {  	[sflag:s29] =	ssyncadd.s32 $0xFFFFC000  }
0x6e: {  	s13 =	sadd.s32 s5, s13;
	_ =	swait.ge [sflag:s29], $0x2400  }
0x6f: {  	s19 =	sadd.s32 $0x0, s13;
	s15 =	simm.s32 $0x19000;
	[sflag:s29] =	ssyncset.done $0x0  }
0x70: {  	s17 =	simm.s32 $0x10;
	s18 =	simm.s32 $0x19080;
	[sflag:s29] =	ssyncadd.s32 $0xFFFFDC00  }
.LBB2_9:
0x71: {  	[hbm4b:s19+s2] =	stream.linear.scatter [tilespmem:s15], [sflag:$0x8], $0x40, $0x38;
	[tilespmem:$0x1F400] =	vst v63  }
0x72: {  	s19 =	smov.u32 s17;
	s15 =	smov.u32 s18;
	p1 =	sne.s32 s17, $0xC70  }
.Ltmp5:
0x73: {  	s17 =	sadd.s32 $0x10, s17;
	(pc) =	sbr.rel @p1 .LBB2_9-.Ltmp5, $2  }
0x74: {  	_ =	sdelay $0x2  }
0x75: {  	s18 =	sadd.s32 $0x80, s18;
	s19 =	sadd.s32 s19, s13  }
.Ltmp6:
0x76: {  	(pc) =	sbr.rel @p0 .LBB2_12-.Ltmp6, $2  }
0x77: {  	_ =	sdelay $0x2  }
0x78: {  	[hbm4b:s19+s2] =	stream.linear.scatter [tilespmem:s15], [sflag:$0x8], $0x40, $0x38;
	[tilespmem:$0x1F400] =	vst v63  }
0x79: {  	s13 =	smul.u32 $0xC80, s12  }
0x7a: {  	_ =	swait.ge [sflag:s31], $0x3200  }
.Ltmp7:
0x7b: {  	[sflag:s31] =	ssyncset.done $0x0;
	s13 =	sshra.s32 s13, $0x2;
	(pc) =	sbr.rel .LBB2_2-.Ltmp7, $4  }
0x7c: {  	[sflag:s31] =	ssyncadd.s32 $0xFFFFCE00;
	s15 =	sadd.s32 $0x3E8, s13  }
0x7d: {  	[tilespmem:s14], [sflag:$0x2] =	stream.indirect.gather [hbm4b:s4+s9], $0x80, s15, s9, $0xb8;
	[tilespmem:$0x1F400] =	vst v63  }
0x7e: {  	s12 =	sadd.s32 $0x1, s12;
	s13 =	sadd.s32 $0x468, s13  }
0x7f: {  	[tilespmem:s16], [sflag:$0x2] =	stream.indirect.gather [hbm4b:s4+s11], $0x80, s13, s11, $0xb8;
	[tilespmem:$0x1F400] =	vst v63  }
.LBB2_13:
0x80: {  	_ =	sfence.sel $0x180000  }
0x81: {  	[bflag:$0x0] =	sbarrier.arrive $0xFFFF  }
0x82: {  	_ =	strace $0x90000047  }
0x83: {  	s0 =	stileid.u32;
	[bflag:$0x2] =	sbarrier.arrive $0xFFFF  }
0x84: {  	p0 =	sne.s32 s0, $0x0;
	s0 =	rddreg [dreg:$0x2]  }
0x85: {  	s0 =	sadd.s32 @!p0 $0x100000, s0  }
0x86: {  	[sflag:s0] =	ssyncadd.tile.s32 @!p0 $0x1;
	_ =	shalt  }
.Lfunc_end2:
_tile_overlayer_lowered:
.L_overlay_start_2:
0x87: {  	(tag) =	ssettag $0x2  }
0x88: {  	s0 =	rddreg [dreg:$0x0];
	s2 =	stileid.u32  }
0x89: {  	s1 =	rddreg [dreg:$0x1];
	p0 =	sne.s32 s2, $0x0  }
0x8a: {  	s3 =	rddreg [dreg:$0x2];
	[bflag:$0x3] =	sbarrier.arrive $0xFFFF;
	s2 =	simm.s32 @!p0 $0x1C09  }
0x8b: {  	[timem:s3], [sflag:s2] =	dma.local @!p0 [hbm:s0], s1  }
0x8c: {  	s0 =	simm.s32 @!p0 $0x9  }
0x8d: {  	_ =	swait.ge @!p0 [sflag:s0], s1  }
0x8e: {  	s1 =	ssub.s32 @!p0 $0x0, s1;
	[sflag:s0] =	ssyncset.done @!p0 $0x0  }
0x8f: {  	[sflag:s0] =	ssyncadd.s32 @!p0 s1  }
0x90: {  	[bflag:$0x3] =	sbarrier.arrive $0xFFFF  }
0x91: {  	_ =	shalt  }

// kernel: sparse-core-data-format-call.cloned.1.call-start
scs
called_computation_lowered:
.L_overlay_start_0:
0x0: {  	s2 =	sld [smem:$0x3FD9]  }
0x1: {  	s3 =	sld [smem:$0x3FFE];
	_ =	sdelay $0x1  }
0x2: {  	s1 =	srdreg.scid  }
0x3: {  	s0 =	sand.u32 $0x1, s1  }
0x4: {  	s18 =	sshll.u32 s0, $0xA;
	s2 =	sadd.s32 s3, s2  }
0x5: {  	s2 =	sadd.s32 s2, s18  }
0x6: {  	[smem:$0x3FC6] =	sst s2  }
0x7: {  	_ = 	snop  }
0x8: {  	s2 =	sld [smem:$0x3FD0];
	(tm) =	ssettm $0x1  }
0x9: {  	s19 =	sld [smem:$0x3FFB];
	_ =	sdelay $0x3  }
0xa: {  	_ =	strace s19  }
0xb: {  	s3 =	sld [smem:$0x3FFC];
	_ =	sdelay $0x3  }
0xc: {  	_ =	strace s3  }
0xd: {  	s3 =	sld [smem:$0x3FFD];
	_ =	sdelay $0x3  }
0xe: {  	_ =	strace s3  }
0xf: {  	_ =	strace $0x8FFFFFFF  }
0x10: {  	s20 =	sld [smem:$0x3FDB];
	_ =	sdelay $0x1  }
0x11: {  	s4 =	simm.s32 $_scs_section_size  }
0x12: {  	s5 =	simm.s32 $_size__tile_overlayer_lowered;
	s6 =	simm.s32 $_tile_overlayer_lowered  }
0x13: {  	s23 =	simm.s32 $0x1BFF;
	s22 =	sshll.u32 s6, $0x1;
	s3 =	sadd.s32 s4, s20  }
0x14: {  	s7 =	simm.s32 $0x0;
	s21 =	sshll.u32 s5, $0x1;
	s5 =	sadd.s32 s22, s3  }
0x15: {  	[timem:s7], [sflag:s23] =	dma.local [hbm:s5], s21  }
0x16: {  	_ =	swait.ge [sflag:s23], s21  }
0x17: {  	s4 =	ssub.s32 $0x0, s21;
	[sflag:s23] =	ssyncset.done $0x0  }
0x18: {  	[sflag:s23] =	ssyncadd.s32 s4;
	_ =	sdelay $0x1  }
0x19: {  	s24 =	simm.s32 $0x1B8B  }
0x1a: {  	_ =	swait.ge [sflag:s24], $0x1  }
0x1b: {  	[sflag:s24] =	ssyncset.done $0x0  }
0x1c: {  	s26 =	simm.s32 $0x1B8E;
	s25 =	sld [smem:$0x3FFE];
	[sflag:s24] =	ssyncadd.s32 $0xFFFFFFFF  }
0x1d: {  	s27 =	simm.s32 $execute0_lowered;
	[smem:$0x3FD2] =	sst s26  }
0x1e: {  	s5 =	sshll.u32 s27, $0x1;
	_ =	strace $0x80000049;
	[dreg:$0x1] =	wrdreg $0xFFFFFFFF  }
0x1f: {  	s28 =	simm.s32 $_size_execute0_lowered;
	s3 =	sadd.s32 s3, s5;
	[dreg:$0x0] =	wrdreg $0x0  }
0x20: {  	s5 =	sshll.u32 s28, $0x1;
	[dreg:$0x2] =	wrdreg s3  }
0x21: {  	[dreg:$0x3] =	wrdreg s5  }
0x22: {  	[dreg:$0x4] =	wrdreg $0xC0  }
0x23: {  	_ =	task [dreg:s7], $0x5FFFF  }
0x24: {  	[dreg:$0x1] =	wrdreg $0xFFFFFFFF  }
0x25: {  	[dreg:$0x0] =	wrdreg $0x60  }
0x26: {  	[dreg:$0x2] =	wrdreg s25  }
0x27: {  	[dreg:$0x3] =	wrdreg s2  }
0x28: {  	[dreg:$0x4] =	wrdreg $0x9  }
0x29: {  	_ =	task.clear_ibuf [dreg:s7], $0x5FFFF;
	_ =	strace $0x90000049  }
0x2a: {  	s29 =	simm.s32 $0x9;
	_ =	strace $0x8000004B  }
0x2b: {  	_ =	swait.ge [sflag:s29], $0x1  }
0x2c: {  	[sflag:s29] =	ssyncadd.s32 $0xFFFFFFFF  }
0x2d: {  	_ =	strace $0x9000004B  }
0x2e: {  	_ =	sfence  }
0x2f: {  	s30 =	sld [smem:$0x0];
	_ =	sdelay $0x2  }
0x30: {  	s31 =	sshll.u32 s1, $0xD;
	s1 =	sshrl.u32 s1, $0x2  }
0x31: {  	s3 =	sand.u32 $0x4000, s31;
	s1 =	sadd.s32 s1, s30  }
0x32: {  	s0 =	sor.u32 s3, s0;
	s1 =	sshll.u32 s1, $0x11  }
0x33: {  	s0 =	sor.u32 s1, s0  }
0x34: {  	s0 =	sadd.s32 $0x8F2B, s0  }
0x35: {  	[sflag:s0] =	ssyncadd.remote.s32 $0x1  }
0x36: {  	_ =	sfence.sel $0xFFFF  }
0x37: {  	[dreg:$0x0] =	wrdreg $0xFFFFFFFF;
	(pc) =	sbr.abs _section_cstart, $3  }
0x38: {  	[dreg:$0x1] =	wrdreg $0xFFFFFFFF  }
0x39: {  	_ =	task.clear_ibuf [dreg:s7], $0x2FFFF;
	_ =	strace $0x9FFFFFFF  }
0x3a: {  	(tm) =	ssettm $0x7FFFFFFF  }
0x3b: {  	_ =	shalt  }
tec
execute0_lowered:
.L_overlay_start_1:
0x0: {  	(tag) =	ssettag $0x1  }
0x1: {  	s0 =	srdreg.scid  }
0x2: {  	s1 =	sshll.u32 s0, $0x4  }
0x3: {  	s0 =	stileid.u32;
	s1 =	sand.u32 $0x10, s1  }
0x4: {  	s1 =	sor.u32 s0, s1  }
0x5: {  	s6 =	rddreg [dreg:$0x0];
	s4 =	simm.s32 $0x1;
	s2 =	sshll.u32 s1, $0x7  }
0x6: {  	s7 =	simm.s32 $0x2;
	s12 =	simm.s32 $0x0;
	s1 =	ssub.s32 $0x1000, s2  }
0x7: {  	s8 =	simm.s32 $0x8000;
	s13 =	simm.s32 $0x0;
	s3 =	sand.u32 $0xF80, s1  }
0x8: {  	s9 =	simm.s32 $0x0;
	s5 =	sshrl.u32 s1, $0xC;
	p0 =	sne.s32 s3, $0x0  }
.Ltmp0:
0x9: {  	s1 =	rddreg [dreg:$0x2];
	s4 =	simm.s32 @!p0 $0x0;
	(pc) =	sbr.rel .LBB1_1-.Ltmp0, $4  }
0xa: {  	s11 =	simm.s32 $0x0;
	s3 =	rddreg [dreg:$0x1];
	s5 =	sadd.s32 s4, s5  }
0xb: {  	_ =	strace $0x8000004A;
	s4 =	simm.s32 $0x1;
	s5 =	smul.u32 $0xC8, s5  }
0xc: {  	s6 =	sadd.s32 $0xA00, s6;
	s10 =	smov.u32 s2;
	[sflag:s4] =	ssyncpa.u1 $0x0  }
0xd: {  	p0 =	por $0x0, $0x0;
	[sflag:s7] =	ssyncpa.u1 $0x0;
	s7 =	sor.u32 $0x1, s5  }
.LBB1_4:
0xe: {  	s16 =	sshll.u32 s13, $0x3;
	s17 =	sand.u32 $0x78, s13  }
0xf: {  	s30 =	sand.u32 $0x7E00, s13;
	s12 =	sshll.u32 s12, $0xF;
	s16 =	sand.u32 $0xC00, s16  }
0x10: {  	[tilespmem:s15+$0x810 ss:$0x81] =	vst.msk $0xffff, v2;
	s31 =	sand.u32 $0x7, s13;
	s16 =	sor.u32 s17, s16;
	s17 =	sadd.s32 s3, s30  }
0x11: {  	[tilespmem:s15+$0x1020 ss:$0x81] =	vst.msk $0xffff, v0;
	s13 =	sshll.u32 s31, $0x12;
	s12 =	sadd.s32 s12, s17;
	s16 =	sshrl.u32 s16, $0x3  }
0x12: {  	[tilespmem:s15+$0x0 ss:$0x81] =	vst.msk $0xffff, v1;
	s13 =	sor.u32 $0x400, s13;
	s12 =	sadd.s32 s16, s12  }
0x13: {  	[hbm4b:s12+s13] =	stream.strided.scatter [tilespmem:s14], [sflag:$0x2], $0x2000, s8, s13, $0x20;
	[tilespmem:$0x8080] =	vst v63  }
.LBB1_5:
0x14: {  	s14 =	sadd.s32 $0x1, s9  }
0x15: {  	s12 =	sadd.s32 $0x1000, s10;
	s16 =	smov.u32 s10;
	p2 =	sgt.s32 s14, $0xC7  }
0x16: {  	s16 =	smov.u32 @p2 s12  }
0x17: {  	s14 =	simm.s32 @p2 $0x0;
	p2 =	sgt.s32 s16, $0xFFF  }
0x18: {  	s16 =	smov.u32 @p2 s2;
	p2 =	sne.s32 s11, s7  }
.Ltmp1:
0x19: {  	p1 =	slt.u32 s11, $0x2;
	(pc) =	sbr.rel @!p2 .LBB1_6-.Ltmp1, $4  }
0x1a: {  	s15 =	simm.s32 @!p1 $0x2  }
0x1b: {  	s13 =	smov.u32 s10;
	p0 =	por !p0, !p0;
	_ =	swait.ge @!p1 [sflag:s15], $0x2000  }
0x1c: {  	s12 =	smov.u32 s9;
	[sflag:s15] =	ssyncset.done @!p1 $0x0;
	s9 =	smov.u32 s14  }
0x1d: {  	s11 =	sadd.s32 $0x1, s11;
	[sflag:s15] =	ssyncadd.s32 @!p1 $0xFFFFE000;
	s10 =	smov.u32 s16  }
.LBB1_1:
0x1e: {  	p1 =	sge.u32 s11, s5  }
0x1f: {  	s14 =	sand.u32 @!p1 $0x1FFFFFF, s9  }
0x20: {  	s15 =	smulhi.u32 @!p1 $0x147AE15, s14;
	_ =	sdelay $0x1  }
0x21: {  	s15 =	smul.u32 @!p1 $0xC8, s15  }
0x22: {  	s16 =	sxor.u32 @!p1 $0xFFFFFFFF, s11;
	s17 =	smul.u32 @!p1 $0xC80, s10  }
0x23: {  	s31 =	sadd.s32 $0xFFFFFFFF, s11;
	s16 =	sshll.u32 @!p1 s16, $0xD;
	s14 =	ssub.s32 @!p1 s14, s15  }
0x24: {  	s15 =	sand.u32 @!p1 $0x2000, s16;
	s16 =	sadd.s32 @!p1 s6, s17;
	s14 =	sshll.u32 @!p1 s14, $0x4  }
0x25: {  	s17 =	simm.s32 @!p1 $0x6400;
	s14 =	sadd.s32 @!p1 s14, s16;
	s16 =	simm.s32 @!p1 $0x40  }
0x26: {  	[tilespmem:s15], [sflag:$0x1] =	stream.strided.gather @!p1 [hbm4b:s14+s16], $0x2000, s17, s16, $0x38;
	[tilespmem:$0x8080] =	vst v63  }
0x27: {  	p1 =	sge.u32 s31, s5  }
.Ltmp2:
0x28: {  	_ = 	snop;
	(pc) =	sbr.rel @p1 .LBB1_5-.Ltmp2, $1  }
0x29: {  	_ =	sdelay $0x3  }
0x2a: {  	s14 =	simm.s32 $0x1  }
0x2b: {  	_ =	swait.ge [sflag:s4], $0x2000;
	s14 =	simm.s32 @!p0 $0x0  }
0x2c: {  	[sflag:s4] =	ssyncset.done $0x0;
	s15 =	sshll.u32 s14, $0xD  }
0x2d: {  	[sflag:s4] =	ssyncadd.s32 $0xFFFFE000;
	s18 =	sor.u32 $0x20, s15  }
0x2e: {  	s14 =	smul.u32 $0x8100, s14;
	v3 =	vld [tilespmem:s18+$0x10]  }
0x2f: {  	s30 =	sand.u32 $0x1, s11;
	v2 =	vld [tilespmem:s18+$0xFFFFFFF0]  }
0x30: {  	s15 =	smul.u32 $0x8100, s30;
	s14 =	sshrl.u32 s14, $0x2;
	v0 =	vld [tilespmem:s18+$0x0]  }
0x31: {  	v1 =	vld [tilespmem:s18+$0xFFFFFFE0];
	s16 =	sor.u32 $0x4000, s14  }
0x32: {  	s31 =	sshrl.u32 s15, $0x2;
	s15 =	sadd.s32 $0x0, s16  }
0x33: {  	s17 =	simm.s32 $0x4;
	s18 =	sadd.s32 $0x40, s18;
	s14 =	sor.u32 $0x4000, s31;
	[tilespmem:s15+$0x1830 ss:$0x81] =	vst.msk $0xffff, v3  }
.LBB1_3:
0x34: {  	v3 =	vld [tilespmem:s18+$0x10];
	p1 =	sne.s32 s17, $0x1FC;
	[tilespmem:s15+$0x810 ss:$0x81] =	vst.msk $0xffff, v2;
	s19 =	smov.u32 s17;
	s17 =	sadd.s32 $0x4, s17  }
.Ltmp3:
0x35: {  	v2 =	vld [tilespmem:s18+$0xFFFFFFF0];
	[tilespmem:s15+$0x1020 ss:$0x81] =	vst.msk $0xffff, v0;
	(pc) =	sbr.rel @p1 .LBB1_3-.Ltmp3, $4  }
0x36: {  	v0 =	vld [tilespmem:s18+$0x0];
	[tilespmem:s15+$0x0 ss:$0x81] =	vst.msk $0xffff, v1  }
0x37: {  	s15 =	sshra.s32 s19, $0x2;
	v1 =	vld [tilespmem:s18+$0xFFFFFFE0]  }
0x38: {  	s15 =	sadd.s32 s15, s16  }
0x39: {  	s18 =	sadd.s32 $0x40, s18;
	[tilespmem:s15+$0x1830 ss:$0x81] =	vst.msk $0xffff, v3  }
.Ltmp4:
0x3a: {  	_ = 	snop;
	(pc) =	sbr.rel .LBB1_4-.Ltmp4, $1  }
0x3b: {  	_ =	sdelay $0x3  }
.LBB1_6:
0x3c: {  	_ =	sfence.sel $0x180000  }
0x3d: {  	s2 =	simm.s32 $0x1;
	[bflag:$0x0] =	sbarrier.arrive $0xFFFF  }
0x3e: {  	s31 =	simm.s32 $0x2;
	[sflag:s2] =	ssyncpa.u1 $0x1  }
0x3f: {  	[sflag:s31] =	ssyncpa.u1 $0x1  }
0x40: {  	p0 =	sne.s32 s0, $0x0;
	_ =	strace $0x9000004A  }
0x41: {  	s0 =	sadd.s32 @!p0 $0x100000, s1;
	[bflag:$0x2] =	sbarrier.arrive $0xFFFF  }
0x42: {  	[sflag:s0] =	ssyncadd.tile.s32 @!p0 $0x1;
	_ =	shalt  }
.Lfunc_end1:
_tile_overlayer_lowered:
.L_overlay_start_2:
0x43: {  	(tag) =	ssettag $0x2  }
0x44: {  	s0 =	rddreg [dreg:$0x0];
	s2 =	stileid.u32  }
0x45: {  	s1 =	rddreg [dreg:$0x1];
	p0 =	sne.s32 s2, $0x0  }
0x46: {  	s3 =	rddreg [dreg:$0x2];
	[bflag:$0x3] =	sbarrier.arrive $0xFFFF;
	s2 =	simm.s32 @!p0 $0x1C01  }
0x47: {  	[timem:s3], [sflag:s2] =	dma.local @!p0 [hbm:s0], s1  }
0x48: {  	s0 =	simm.s32 @!p0 $0x1  }
0x49: {  	_ =	swait.ge @!p0 [sflag:s0], s1  }
0x4a: {  	s1 =	ssub.s32 @!p0 $0x0, s1;
	[sflag:s0] =	ssyncset.done @!p0 $0x0  }
0x4b: {  	[sflag:s0] =	ssyncadd.s32 @!p0 s1  }
0x4c: {  	[bflag:$0x3] =	sbarrier.arrive $0xFFFF  }
0x4d: {  	_ =	shalt  }

</sc_bundles>
